<compile_context>
chip_gen: v7x
topology: tpu7x:2x2x1
jax: 0.10.2.dev20260603
libtpu: 0.0.44.dev20260713+nightly
codegen_flags: <defaults>
</compile_context>

<pallas_src>
import functools

import jax
import jax.numpy as jnp
from jax import lax
from jax.experimental import pallas as pl
from jax.experimental.pallas import tpu as pltpu
from jax.experimental.pallas import tpu_sc as plsc

EMBED = 64
K = 1024
BETA = 0.25

B = 64
T = 576
N_TOKENS = B * T
RB = 8
BLOCK = RB * T

_NUM_CORES = 2
_NUM_SUBCORES = 16
_NW = _NUM_CORES * _NUM_SUBCORES
_B_PER_W = N_TOKENS // _NW
_RB_PER_W = _B_PER_W // T
_CHUNK = 96
_CPR = T // _CHUNK
_CHUNKS = _B_PER_W // _CHUNK


def _vq_body(x_ref, c_ref, codes2d_ref, codes_ref, loss_ref,
             codes_v, sem):
    i = pl.program_id(0)
    x = x_ref[...].reshape(BLOCK, EMBED)
    c = c_ref[...]
    c2 = jnp.sum(c * c, axis=1)
    x2 = jnp.sum(x * x, axis=1, keepdims=True)
    xc = jax.lax.dot_general(x, -2.0 * c, (((1,), (1,)), ((), ())),
                             preferred_element_type=jnp.float32)
    scores = (x2 + xc) + c2[None, :]
    minv = jnp.min(scores, axis=1, keepdims=True)
    iota = jax.lax.broadcasted_iota(jnp.int32, scores.shape, 1)
    codes = jnp.min(jnp.where(scores == minv, iota, K), axis=1)
    codes_v[...] = codes
    codes2d_ref[...] = codes.reshape(RB, T)
    pltpu.async_copy(codes_v, codes_ref.at[pl.ds(i * BLOCK, BLOCK)],
                     sem).wait()

    @pl.when(i == 0)
    def _init():
        loss_ref[0, 0] = 0.0

    loss_ref[0, 0] += jnp.sum(minv)


def _argmin_stage(x3, codebook):
    return pl.pallas_call(
        _vq_body,
        grid=(B // RB,),
        in_specs=[
            pl.BlockSpec((RB, T, EMBED), lambda i: (i, 0, 0)),
            pl.BlockSpec((K, EMBED), lambda i: (0, 0)),
        ],
        out_specs=[
            pl.BlockSpec((RB, T), lambda i: (i, 0)),
            pl.BlockSpec(memory_space=pl.ANY),
            pl.BlockSpec(block_shape=(1, 1), index_map=lambda i: (0, 0),
                         memory_space=pltpu.SMEM),
        ],
        out_shape=[
            jax.ShapeDtypeStruct((B, T), jnp.int32),
            jax.ShapeDtypeStruct((N_TOKENS,), jnp.int32),
            jax.ShapeDtypeStruct((1, 1), jnp.float32),
        ],
        scratch_shapes=[
            pltpu.VMEM((BLOCK,), jnp.int32),
            pltpu.SemaphoreType.DMA,
        ],
    )(x3, codebook)


@functools.cache
def _gather_stage():
    @functools.partial(
        pl.kernel,
        mesh=plsc.VectorSubcoreMesh(core_axis_name="c", subcore_axis_name="s"),
        out_type=jax.ShapeDtypeStruct((B, T, EMBED), jnp.float32),
        scratch_types=[
            pltpu.VMEM((_B_PER_W,), jnp.int32),
            pltpu.VMEM((_CHUNKS, _CHUNK, EMBED), jnp.float32),
            pltpu.SemaphoreType.DMA,
            pltpu.SemaphoreType.DMA,
        ],
        compiler_params=pltpu.CompilerParams(use_tc_tiling_on_sc=False),
    )
    def gather(table_hbm, idx_hbm, out_hbm, idx_v, rows_v, sem_g, sem_w):
        wid = lax.axis_index("s") * _NUM_CORES + lax.axis_index("c")
        base = wid * _B_PER_W
        pltpu.sync_copy(idx_hbm.at[pl.ds(base, _B_PER_W)], idx_v)
        gathers = [
            pltpu.async_copy(table_hbm.at[idx_v.at[pl.ds(j * _CHUNK, _CHUNK)]],
                             rows_v.at[j], sem_g)
            for j in range(_CHUNKS)
        ]
        writes = []
        for j in range(_CHUNKS):
            r, k = divmod(j, _CPR)
            gathers[j].wait()
            writes.append(pltpu.async_copy(
                rows_v.at[j],
                out_hbm.at[_RB_PER_W * wid + r, pl.ds(k * _CHUNK, _CHUNK)],
                sem_w))
        for w in writes:
            w.wait()

    return gather


def kernel(inputs, codebook):
    codes2d, codes, loss_acc = _argmin_stage(inputs, codebook)
    q = _gather_stage()(codebook, codes)
    loss = loss_acc[0, 0] * (1.0 + BETA) / (N_TOKENS * EMBED)
    return q, codes2d, loss

# --- scband reference (transcript-rebuilt; emitter-appended) ---
"""Pipeline reference for scband-vector-quantizer-64029372449365 (READ-ONLY COPY).

The authoritative reference and input builder live on the scoring server;
editing this copy changes nothing except your own understanding.
"""

import jax, jax.numpy as jnp
import numpy as np

EMBED_DIM = 64
CODEBOOK_SIZE = 1024
BETA = 0.25


def setup_inputs(seed: int = 0) -> dict:
    key = jax.random.key(seed)
    k1, k2 = jax.random.split(key)
    inputs = jax.random.normal(k1, (64, 576, EMBED_DIM), dtype=jnp.float32)
    # nn.init.uniform_(codebook.weight, -1/codebook_size, 1/codebook_size)
    codebook = jax.random.uniform(
        k2, (CODEBOOK_SIZE, EMBED_DIM), dtype=jnp.float32,
        minval=-1.0 / CODEBOOK_SIZE, maxval=1.0 / CODEBOOK_SIZE,
    )
    return {"inputs": inputs, "codebook": codebook}


def reference(inputs, codebook):
    original_shape = inputs.shape
    flat_inputs = inputs.reshape(-1, EMBED_DIM)
    distances = (
        jnp.sum(flat_inputs ** 2, axis=1, keepdims=True)
        - 2.0 * flat_inputs @ codebook.T
        + jnp.sum(codebook ** 2, axis=1)[None, :]
    )
    codes = jnp.argmin(distances, axis=1)
    quantized = jnp.take(codebook, codes, axis=0).reshape(original_shape)
    straight_through = inputs + jax.lax.stop_gradient(quantized - inputs)
    commitment = jnp.mean((inputs - jax.lax.stop_gradient(quantized)) ** 2)
    codebook_loss = jnp.mean((quantized - jax.lax.stop_gradient(inputs)) ** 2)
    loss = codebook_loss + BETA * commitment
    codes_out = codes.reshape(original_shape[:-1])
    return straight_through, codes_out, loss

if __name__ == "__main__":
    import jax
    _d = setup_inputs()
    print(jax.jit(kernel)(*tuple(_d.values())))

</pallas_src>

<mosaic_0001>
#map = affine_map<(d0, d1) -> (0, 0)>
#map1 = affine_map<(d0, d1) -> (0)>
#map2 = affine_map<(d0, d1) -> (0, 0, 0)>
module attributes {stable_mosaic.version = 14 : i64} {
  func.func @gather(%arg0: i32, %arg1: i32, %arg2: memref<1024x64xf32, #tpu.memory_space<hbm>>, %arg3: memref<36864xi32, #tpu.memory_space<hbm>>, %arg4: memref<64x576x64xf32, #tpu.memory_space<hbm>>, %arg5: memref<1152xi32, #tpu.memory_space<vmem>>, %arg6: memref<12x96x64xf32, #tpu.memory_space<vmem>>, %arg7: memref<!tpu.dma_semaphore, #tpu.memory_space<semaphore_mem>>, %arg8: memref<!tpu.dma_semaphore, #tpu.memory_space<semaphore_mem>>) attributes {dimension_semantics = [#tpu.dimension_semantics<core_parallel>, #tpu.dimension_semantics<subcore_parallel>], iteration_bounds = array<i64: 2, 16>, scalar_prefetch = 0 : i64, scratch_operands = 4 : i64, tpu.core_type = #tpu.core_type<sc_vector_subcore>, window_params = [{transform_indices = #map}, {transform_indices = #map1}, {transform_indices = #map2}]} {
    %mul3A = arith.constant 2 : i32
    %mul3A_0 = arith.muli %arg1, %mul3A : i32
    %add3A = arith.addi %mul3A_0, %arg0 : i32
    %mul3A_1 = arith.constant 1152 : i32
    %mul3A_2 = arith.muli %add3A, %mul3A_1 : i32
    "tpu.region"() ({
      %run_scoped3A = tpu.sem_alloc : memref<!tpu.dma_semaphore, #tpu.memory_space<semaphore_mem>>
      %dma_start3A_697 = tpu.memref_slice %arg3[%mul3A_2] : memref<36864xi32, #tpu.memory_space<hbm>> -> memref<1152xi32, #tpu.memory_space<hbm>>
      %dma_start3A_698 = tpu.memref_slice %arg3[%mul3A_2] : memref<36864xi32, #tpu.memory_space<hbm>> -> memref<1152xi32, #tpu.memory_space<hbm>>
      tpu.enqueue_dma source(%dma_start3A_698 : memref<1152xi32, #tpu.memory_space<hbm>>) target(%arg5 : memref<1152xi32, #tpu.memory_space<vmem>>) target_semaphore(%run_scoped3A : memref<!tpu.dma_semaphore, #tpu.memory_space<semaphore_mem>>)
      %dma_wait3A_699 = tpu.memref_slice %arg3[%mul3A_2] : memref<36864xi32, #tpu.memory_space<hbm>> -> memref<1152xi32, #tpu.memory_space<hbm>>
      %dma_wait3A_700 = tpu.memref_slice %arg3[%mul3A_2] : memref<36864xi32, #tpu.memory_space<hbm>> -> memref<1152xi32, #tpu.memory_space<hbm>>
      tpu.wait_dma2 semaphore(%run_scoped3A : memref<!tpu.dma_semaphore, #tpu.memory_space<semaphore_mem>>) src(%dma_wait3A_700 : memref<1152xi32, #tpu.memory_space<hbm>>) dst(%arg5 : memref<1152xi32, #tpu.memory_space<vmem>>)
      tpu.yield
    }) : () -> ()
    %dma_start3A = arith.constant 0 : i32
    %dma_start3A_3 = arith.constant 0 : i32
    %dma_start3A_4 = arith.constant 0 : i32
    %dma_start3A_5 = tpu.memref_slice %arg6[%dma_start3A, %dma_start3A_3, %dma_start3A_4] : memref<12x96x64xf32, #tpu.memory_space<vmem>> -> memref<1x96x64xf32, #tpu.memory_space<vmem>>
    %dma_start3A_6 = tpu.memref_squeeze %dma_start3A_5 : memref<1x96x64xf32, #tpu.memory_space<vmem>> -> memref<96x64xf32, #tpu.memory_space<vmem>>
    %dma_start3A_7 = arith.constant 0 : i32
    %dma_start3A_8 = tpu.memref_slice %arg5[%dma_start3A_7] : memref<1152xi32, #tpu.memory_space<vmem>> -> memref<96xi32, #tpu.memory_space<vmem>>
    %dma_start3A_9 = arith.constant 0 : i32
    %dma_start3A_10 = arith.constant 0 : i32
    %dma_start3A_11 = tpu.memref_slice %arg2[%dma_start3A_9, %dma_start3A_10] : memref<1024x64xf32, #tpu.memory_space<hbm>> -> memref<1024x64xf32, #tpu.memory_space<hbm>>
    tpu.enqueue_indirect_dma source(%dma_start3A_11 : memref<1024x64xf32, #tpu.memory_space<hbm>>) target(%dma_start3A_6 : memref<96x64xf32, #tpu.memory_space<vmem>>) offsets(%dma_start3A_8 : memref<96xi32, #tpu.memory_space<vmem>>) semaphore(%arg7 : memref<!tpu.dma_semaphore, #tpu.memory_space<semaphore_mem>>)
    %dma_start3A_12 = arith.constant 1 : i32
    %dma_start3A_13 = arith.constant 0 : i32
    %dma_start3A_14 = arith.constant 0 : i32
    %dma_start3A_15 = tpu.memref_slice %arg6[%dma_start3A_12, %dma_start3A_13, %dma_start3A_14] : memref<12x96x64xf32, #tpu.memory_space<vmem>> -> memref<1x96x64xf32, #tpu.memory_space<vmem>>
    %dma_start3A_16 = tpu.memref_squeeze %dma_start3A_15 : memref<1x96x64xf32, #tpu.memory_space<vmem>> -> memref<96x64xf32, #tpu.memory_space<vmem>>
    %dma_start3A_17 = arith.constant 96 : i32
    %dma_start3A_18 = tpu.memref_slice %arg5[%dma_start3A_17] : memref<1152xi32, #tpu.memory_space<vmem>> -> memref<96xi32, #tpu.memory_space<vmem>>
    %dma_start3A_19 = arith.constant 0 : i32
    %dma_start3A_20 = arith.constant 0 : i32
    %dma_start3A_21 = tpu.memref_slice %arg2[%dma_start3A_19, %dma_start3A_20] : memref<1024x64xf32, #tpu.memory_space<hbm>> -> memref<1024x64xf32, #tpu.memory_space<hbm>>
    tpu.enqueue_indirect_dma source(%dma_start3A_21 : memref<1024x64xf32, #tpu.memory_space<hbm>>) target(%dma_start3A_16 : memref<96x64xf32, #tpu.memory_space<vmem>>) offsets(%dma_start3A_18 : memref<96xi32, #tpu.memory_space<vmem>>) semaphore(%arg7 : memref<!tpu.dma_semaphore, #tpu.memory_space<semaphore_mem>>)
    %dma_start3A_22 = arith.constant 2 : i32
    %dma_start3A_23 = arith.constant 0 : i32
    %dma_start3A_24 = arith.constant 0 : i32
    %dma_start3A_25 = tpu.memref_slice %arg6[%dma_start3A_22, %dma_start3A_23, %dma_start3A_24] : memref<12x96x64xf32, #tpu.memory_space<vmem>> -> memref<1x96x64xf32, #tpu.memory_space<vmem>>
    %dma_start3A_26 = tpu.memref_squeeze %dma_start3A_25 : memref<1x96x64xf32, #tpu.memory_space<vmem>> -> memref<96x64xf32, #tpu.memory_space<vmem>>
    %dma_start3A_27 = arith.constant 192 : i32
    %dma_start3A_28 = tpu.memref_slice %arg5[%dma_start3A_27] : memref<1152xi32, #tpu.memory_space<vmem>> -> memref<96xi32, #tpu.memory_space<vmem>>
    %dma_start3A_29 = arith.constant 0 : i32
    %dma_start3A_30 = arith.constant 0 : i32
    %dma_start3A_31 = tpu.memref_slice %arg2[%dma_start3A_29, %dma_start3A_30] : memref<1024x64xf32, #tpu.memory_space<hbm>> -> memref<1024x64xf32, #tpu.memory_space<hbm>>
    tpu.enqueue_indirect_dma source(%dma_start3A_31 : memref<1024x64xf32, #tpu.memory_space<hbm>>) target(%dma_start3A_26 : memref<96x64xf32, #tpu.memory_space<vmem>>) offsets(%dma_start3A_28 : memref<96xi32, #tpu.memory_space<vmem>>) semaphore(%arg7 : memref<!tpu.dma_semaphore, #tpu.memory_space<semaphore_mem>>)
    %dma_start3A_32 = arith.constant 3 : i32
    %dma_start3A_33 = arith.constant 0 : i32
    %dma_start3A_34 = arith.constant 0 : i32
    %dma_start3A_35 = tpu.memref_slice %arg6[%dma_start3A_32, %dma_start3A_33, %dma_start3A_34] : memref<12x96x64xf32, #tpu.memory_space<vmem>> -> memref<1x96x64xf32, #tpu.memory_space<vmem>>
    %dma_start3A_36 = tpu.memref_squeeze %dma_start3A_35 : memref<1x96x64xf32, #tpu.memory_space<vmem>> -> memref<96x64xf32, #tpu.memory_space<vmem>>
    %dma_start3A_37 = arith.constant 288 : i32
    %dma_start3A_38 = tpu.memref_slice %arg5[%dma_start3A_37] : memref<1152xi32, #tpu.memory_space<vmem>> -> memref<96xi32, #tpu.memory_space<vmem>>
    %dma_start3A_39 = arith.constant 0 : i32
    %dma_start3A_40 = arith.constant 0 : i32
    %dma_start3A_41 = tpu.memref_slice %arg2[%dma_start3A_39, %dma_start3A_40] : memref<1024x64xf32, #tpu.memory_space<hbm>> -> memref<1024x64xf32, #tpu.memory_space<hbm>>
    tpu.enqueue_indirect_dma source(%dma_start3A_41 : memref<1024x64xf32, #tpu.memory_space<hbm>>) target(%dma_start3A_36 : memref<96x64xf32, #tpu.memory_space<vmem>>) offsets(%dma_start3A_38 : memref<96xi32, #tpu.memory_space<vmem>>) semaphore(%arg7 : memref<!tpu.dma_semaphore, #tpu.memory_space<semaphore_mem>>)
    %dma_start3A_42 = arith.constant 4 : i32
    %dma_start3A_43 = arith.constant 0 : i32
    %dma_start3A_44 = arith.constant 0 : i32
    %dma_start3A_45 = tpu.memref_slice %arg6[%dma_start3A_42, %dma_start3A_43, %dma_start3A_44] : memref<12x96x64xf32, #tpu.memory_space<vmem>> -> memref<1x96x64xf32, #tpu.memory_space<vmem>>
    %dma_start3A_46 = tpu.memref_squeeze %dma_start3A_45 : memref<1x96x64xf32, #tpu.memory_space<vmem>> -> memref<96x64xf32, #tpu.memory_space<vmem>>
    %dma_start3A_47 = arith.constant 384 : i32
    %dma_start3A_48 = tpu.memref_slice %arg5[%dma_start3A_47] : memref<1152xi32, #tpu.memory_space<vmem>> -> memref<96xi32, #tpu.memory_space<vmem>>
    %dma_start3A_49 = arith.constant 0 : i32
    %dma_start3A_50 = arith.constant 0 : i32
    %dma_start3A_51 = tpu.memref_slice %arg2[%dma_start3A_49, %dma_start3A_50] : memref<1024x64xf32, #tpu.memory_space<hbm>> -> memref<1024x64xf32, #tpu.memory_space<hbm>>
    tpu.enqueue_indirect_dma source(%dma_start3A_51 : memref<1024x64xf32, #tpu.memory_space<hbm>>) target(%dma_start3A_46 : memref<96x64xf32, #tpu.memory_space<vmem>>) offsets(%dma_start3A_48 : memref<96xi32, #tpu.memory_space<vmem>>) semaphore(%arg7 : memref<!tpu.dma_semaphore, #tpu.memory_space<semaphore_mem>>)
    %dma_start3A_52 = arith.constant 5 : i32
    %dma_start3A_53 = arith.constant 0 : i32
    %dma_start3A_54 = arith.constant 0 : i32
    %dma_start3A_55 = tpu.memref_slice %arg6[%dma_start3A_52, %dma_start3A_53, %dma_start3A_54] : memref<12x96x64xf32, #tpu.memory_space<vmem>> -> memref<1x96x64xf32, #tpu.memory_space<vmem>>
    %dma_start3A_56 = tpu.memref_squeeze %dma_start3A_55 : memref<1x96x64xf32, #tpu.memory_space<vmem>> -> memref<96x64xf32, #tpu.memory_space<vmem>>
    %dma_start3A_57 = arith.constant 480 : i32
    %dma_start3A_58 = tpu.memref_slice %arg5[%dma_start3A_57] : memref<1152xi32, #tpu.memory_space<vmem>> -> memref<96xi32, #tpu.memory_space<vmem>>
    %dma_start3A_59 = arith.constant 0 : i32
    %dma_start3A_60 = arith.constant 0 : i32
    %dma_start3A_61 = tpu.memref_slice %arg2[%dma_start3A_59, %dma_start3A_60] : memref<1024x64xf32, #tpu.memory_space<hbm>> -> memref<1024x64xf32, #tpu.memory_space<hbm>>
    tpu.enqueue_indirect_dma source(%dma_start3A_61 : memref<1024x64xf32, #tpu.memory_space<hbm>>) target(%dma_start3A_56 : memref<96x64xf32, #tpu.memory_space<vmem>>) offsets(%dma_start3A_58 : memref<96xi32, #tpu.memory_space<vmem>>) semaphore(%arg7 : memref<!tpu.dma_semaphore, #tpu.memory_space<semaphore_mem>>)
    %dma_start3A_62 = arith.constant 6 : i32
    %dma_start3A_63 = arith.constant 0 : i32
    %dma_start3A_64 = arith.constant 0 : i32
    %dma_start3A_65 = tpu.memref_slice %arg6[%dma_start3A_62, %dma_start3A_63, %dma_start3A_64] : memref<12x96x64xf32, #tpu.memory_space<vmem>> -> memref<1x96x64xf32, #tpu.memory_space<vmem>>
    %dma_start3A_66 = tpu.memref_squeeze %dma_start3A_65 : memref<1x96x64xf32, #tpu.memory_space<vmem>> -> memref<96x64xf32, #tpu.memory_space<vmem>>
    %dma_start3A_67 = arith.constant 576 : i32
    %dma_start3A_68 = tpu.memref_slice %arg5[%dma_start3A_67] : memref<1152xi32, #tpu.memory_space<vmem>> -> memref<96xi32, #tpu.memory_space<vmem>>
    %dma_start3A_69 = arith.constant 0 : i32
    %dma_start3A_70 = arith.constant 0 : i32
    %dma_start3A_71 = tpu.memref_slice %arg2[%dma_start3A_69, %dma_start3A_70] : memref<1024x64xf32, #tpu.memory_space<hbm>> -> memref<1024x64xf32, #tpu.memory_space<hbm>>
    tpu.enqueue_indirect_dma source(%dma_start3A_71 : memref<1024x64xf32, #tpu.memory_space<hbm>>) target(%dma_start3A_66 : memref<96x64xf32, #tpu.memory_space<vmem>>) offsets(%dma_start3A_68 : memref<96xi32, #tpu.memory_space<vmem>>) semaphore(%arg7 : memref<!tpu.dma_semaphore, #tpu.memory_space<semaphore_mem>>)
    %dma_start3A_72 = arith.constant 7 : i32
    %dma_start3A_73 = arith.constant 0 : i32
    %dma_start3A_74 = arith.constant 0 : i32
    %dma_start3A_75 = tpu.memref_slice %arg6[%dma_start3A_72, %dma_start3A_73, %dma_start3A_74] : memref<12x96x64xf32, #tpu.memory_space<vmem>> -> memref<1x96x64xf32, #tpu.memory_space<vmem>>
    %dma_start3A_76 = tpu.memref_squeeze %dma_start3A_75 : memref<1x96x64xf32, #tpu.memory_space<vmem>> -> memref<96x64xf32, #tpu.memory_space<vmem>>
    %dma_start3A_77 = arith.constant 672 : i32
    %dma_start3A_78 = tpu.memref_slice %arg5[%dma_start3A_77] : memref<1152xi32, #tpu.memory_space<vmem>> -> memref<96xi32, #tpu.memory_space<vmem>>
    %dma_start3A_79 = arith.constant 0 : i32
    %dma_start3A_80 = arith.constant 0 : i32
    %dma_start3A_81 = tpu.memref_slice %arg2[%dma_start3A_79, %dma_start3A_80] : memref<1024x64xf32, #tpu.memory_space<hbm>> -> memref<1024x64xf32, #tpu.memory_space<hbm>>
    tpu.enqueue_indirect_dma source(%dma_start3A_81 : memref<1024x64xf32, #tpu.memory_space<hbm>>) target(%dma_start3A_76 : memref<96x64xf32, #tpu.memory_space<vmem>>) offsets(%dma_start3A_78 : memref<96xi32, #tpu.memory_space<vmem>>) semaphore(%arg7 : memref<!tpu.dma_semaphore, #tpu.memory_space<semaphore_mem>>)
    %dma_start3A_82 = arith.constant 8 : i32
    %dma_start3A_83 = arith.constant 0 : i32
    %dma_start3A_84 = arith.constant 0 : i32
    %dma_start3A_85 = tpu.memref_slice %arg6[%dma_start3A_82, %dma_start3A_83, %dma_start3A_84] : memref<12x96x64xf32, #tpu.memory_space<vmem>> -> memref<1x96x64xf32, #tpu.memory_space<vmem>>
    %dma_start3A_86 = tpu.memref_squeeze %dma_start3A_85 : memref<1x96x64xf32, #tpu.memory_space<vmem>> -> memref<96x64xf32, #tpu.memory_space<vmem>>
    %dma_start3A_87 = arith.constant 768 : i32
    %dma_start3A_88 = tpu.memref_slice %arg5[%dma_start3A_87] : memref<1152xi32, #tpu.memory_space<vmem>> -> memref<96xi32, #tpu.memory_space<vmem>>
    %dma_start3A_89 = arith.constant 0 : i32
    %dma_start3A_90 = arith.constant 0 : i32
    %dma_start3A_91 = tpu.memref_slice %arg2[%dma_start3A_89, %dma_start3A_90] : memref<1024x64xf32, #tpu.memory_space<hbm>> -> memref<1024x64xf32, #tpu.memory_space<hbm>>
    tpu.enqueue_indirect_dma source(%dma_start3A_91 : memref<1024x64xf32, #tpu.memory_space<hbm>>) target(%dma_start3A_86 : memref<96x64xf32, #tpu.memory_space<vmem>>) offsets(%dma_start3A_88 : memref<96xi32, #tpu.memory_space<vmem>>) semaphore(%arg7 : memref<!tpu.dma_semaphore, #tpu.memory_space<semaphore_mem>>)
    %dma_start3A_92 = arith.constant 9 : i32
    %dma_start3A_93 = arith.constant 0 : i32
    %dma_start3A_94 = arith.constant 0 : i32
    %dma_start3A_95 = tpu.memref_slice %arg6[%dma_start3A_92, %dma_start3A_93, %dma_start3A_94] : memref<12x96x64xf32, #tpu.memory_space<vmem>> -> memref<1x96x64xf32, #tpu.memory_space<vmem>>
    %dma_start3A_96 = tpu.memref_squeeze %dma_start3A_95 : memref<1x96x64xf32, #tpu.memory_space<vmem>> -> memref<96x64xf32, #tpu.memory_space<vmem>>
    %dma_start3A_97 = arith.constant 864 : i32
    %dma_start3A_98 = tpu.memref_slice %arg5[%dma_start3A_97] : memref<1152xi32, #tpu.memory_space<vmem>> -> memref<96xi32, #tpu.memory_space<vmem>>
    %dma_start3A_99 = arith.constant 0 : i32
    %dma_start3A_100 = arith.constant 0 : i32
    %dma_start3A_101 = tpu.memref_slice %arg2[%dma_start3A_99, %dma_start3A_100] : memref<1024x64xf32, #tpu.memory_space<hbm>> -> memref<1024x64xf32, #tpu.memory_space<hbm>>
    tpu.enqueue_indirect_dma source(%dma_start3A_101 : memref<1024x64xf32, #tpu.memory_space<hbm>>) target(%dma_start3A_96 : memref<96x64xf32, #tpu.memory_space<vmem>>) offsets(%dma_start3A_98 : memref<96xi32, #tpu.memory_space<vmem>>) semaphore(%arg7 : memref<!tpu.dma_semaphore, #tpu.memory_space<semaphore_mem>>)
    %dma_start3A_102 = arith.constant 10 : i32
    %dma_start3A_103 = arith.constant 0 : i32
    %dma_start3A_104 = arith.constant 0 : i32
    %dma_start3A_105 = tpu.memref_slice %arg6[%dma_start3A_102, %dma_start3A_103, %dma_start3A_104] : memref<12x96x64xf32, #tpu.memory_space<vmem>> -> memref<1x96x64xf32, #tpu.memory_space<vmem>>
    %dma_start3A_106 = tpu.memref_squeeze %dma_start3A_105 : memref<1x96x64xf32, #tpu.memory_space<vmem>> -> memref<96x64xf32, #tpu.memory_space<vmem>>
    %dma_start3A_107 = arith.constant 960 : i32
    %dma_start3A_108 = tpu.memref_slice %arg5[%dma_start3A_107] : memref<1152xi32, #tpu.memory_space<vmem>> -> memref<96xi32, #tpu.memory_space<vmem>>
    %dma_start3A_109 = arith.constant 0 : i32
    %dma_start3A_110 = arith.constant 0 : i32
    %dma_start3A_111 = tpu.memref_slice %arg2[%dma_start3A_109, %dma_start3A_110] : memref<1024x64xf32, #tpu.memory_space<hbm>> -> memref<1024x64xf32, #tpu.memory_space<hbm>>
    tpu.enqueue_indirect_dma source(%dma_start3A_111 : memref<1024x64xf32, #tpu.memory_space<hbm>>) target(%dma_start3A_106 : memref<96x64xf32, #tpu.memory_space<vmem>>) offsets(%dma_start3A_108 : memref<96xi32, #tpu.memory_space<vmem>>) semaphore(%arg7 : memref<!tpu.dma_semaphore, #tpu.memory_space<semaphore_mem>>)
    %dma_start3A_112 = arith.constant 11 : i32
    %dma_start3A_113 = arith.constant 0 : i32
    %dma_start3A_114 = arith.constant 0 : i32
    %dma_start3A_115 = tpu.memref_slice %arg6[%dma_start3A_112, %dma_start3A_113, %dma_start3A_114] : memref<12x96x64xf32, #tpu.memory_space<vmem>> -> memref<1x96x64xf32, #tpu.memory_space<vmem>>
    %dma_start3A_116 = tpu.memref_squeeze %dma_start3A_115 : memref<1x96x64xf32, #tpu.memory_space<vmem>> -> memref<96x64xf32, #tpu.memory_space<vmem>>
    %dma_start3A_117 = arith.constant 1056 : i32
    %dma_start3A_118 = tpu.memref_slice %arg5[%dma_start3A_117] : memref<1152xi32, #tpu.memory_space<vmem>> -> memref<96xi32, #tpu.memory_space<vmem>>
    %dma_start3A_119 = arith.constant 0 : i32
    %dma_start3A_120 = arith.constant 0 : i32
    %dma_start3A_121 = tpu.memref_slice %arg2[%dma_start3A_119, %dma_start3A_120] : memref<1024x64xf32, #tpu.memory_space<hbm>> -> memref<1024x64xf32, #tpu.memory_space<hbm>>
    tpu.enqueue_indirect_dma source(%dma_start3A_121 : memref<1024x64xf32, #tpu.memory_space<hbm>>) target(%dma_start3A_116 : memref<96x64xf32, #tpu.memory_space<vmem>>) offsets(%dma_start3A_118 : memref<96xi32, #tpu.memory_space<vmem>>) semaphore(%arg7 : memref<!tpu.dma_semaphore, #tpu.memory_space<semaphore_mem>>)
    %dma_wait3A = arith.constant 0 : i32
    %dma_wait3A_122 = arith.constant 0 : i32
    %dma_wait3A_123 = arith.constant 0 : i32
    %dma_wait3A_124 = tpu.memref_slice %arg6[%dma_wait3A, %dma_wait3A_122, %dma_wait3A_123] : memref<12x96x64xf32, #tpu.memory_space<vmem>> -> memref<1x96x64xf32, #tpu.memory_space<vmem>>
    %dma_wait3A_125 = tpu.memref_squeeze %dma_wait3A_124 : memref<1x96x64xf32, #tpu.memory_space<vmem>> -> memref<96x64xf32, #tpu.memory_space<vmem>>
    %dma_wait3A_126 = arith.constant 0 : i32
    %dma_wait3A_127 = tpu.memref_slice %arg5[%dma_wait3A_126] : memref<1152xi32, #tpu.memory_space<vmem>> -> memref<96xi32, #tpu.memory_space<vmem>>
    %dma_wait3A_128 = arith.constant 0 : i32
    %dma_wait3A_129 = arith.constant 0 : i32
    %dma_wait3A_130 = tpu.memref_slice %arg2[%dma_wait3A_128, %dma_wait3A_129] : memref<1024x64xf32, #tpu.memory_space<hbm>> -> memref<1024x64xf32, #tpu.memory_space<hbm>>
    tpu.wait_indirect_dma semaphore(%arg7 : memref<!tpu.dma_semaphore, #tpu.memory_space<semaphore_mem>>) src(%dma_wait3A_130 : memref<1024x64xf32, #tpu.memory_space<hbm>>) dst(%dma_wait3A_125 : memref<96x64xf32, #tpu.memory_space<vmem>>)
    %mul3A_131 = arith.constant 2 : i32
    %mul3A_132 = arith.muli %mul3A_131, %add3A : i32
    %add3A_133 = arith.constant 0 : i32
    %add3A_134 = arith.addi %mul3A_132, %add3A_133 : i32
    %dma_start3A_135 = arith.constant 0 : i32
    %dma_start3A_136 = arith.constant 0 : i32
    %dma_start3A_137 = arith.constant 0 : i32
    %dma_start3A_138 = tpu.memref_slice %arg6[%dma_start3A_135, %dma_start3A_136, %dma_start3A_137] : memref<12x96x64xf32, #tpu.memory_space<vmem>> -> memref<1x96x64xf32, #tpu.memory_space<vmem>>
    %dma_start3A_139 = tpu.memref_squeeze %dma_start3A_138 : memref<1x96x64xf32, #tpu.memory_space<vmem>> -> memref<96x64xf32, #tpu.memory_space<vmem>>
    %dma_start3A_140 = arith.constant 0 : i32
    %dma_start3A_141 = arith.constant 0 : i32
    %dma_start3A_142 = tpu.memref_slice %arg4[%add3A_134, %dma_start3A_140, %dma_start3A_141] : memref<64x576x64xf32, #tpu.memory_space<hbm>> -> memref<1x96x64xf32, #tpu.memory_space<hbm>>
    %dma_start3A_143 = tpu.memref_squeeze %dma_start3A_142 : memref<1x96x64xf32, #tpu.memory_space<hbm>> -> memref<96x64xf32, #tpu.memory_space<hbm>>
    %dma_start3A_144 = arith.constant 0 : i32
    %dma_start3A_145 = arith.constant 0 : i32
    %dma_start3A_146 = tpu.memref_slice %arg4[%add3A_134, %dma_start3A_144, %dma_start3A_145] : memref<64x576x64xf32, #tpu.memory_space<hbm>> -> memref<1x96x64xf32, #tpu.memory_space<hbm>>
    %dma_start3A_147 = tpu.memref_squeeze %dma_start3A_146 : memref<1x96x64xf32, #tpu.memory_space<hbm>> -> memref<96x64xf32, #tpu.memory_space<hbm>>
    %dma_start3A_148 = arith.constant 0 : i32
    %dma_start3A_149 = arith.constant 0 : i32
    %dma_start3A_150 = tpu.memref_slice %arg6[%dma_start3A_135, %dma_start3A_148, %dma_start3A_149] : memref<12x96x64xf32, #tpu.memory_space<vmem>> -> memref<1x96x64xf32, #tpu.memory_space<vmem>>
    %dma_start3A_151 = tpu.memref_squeeze %dma_start3A_150 : memref<1x96x64xf32, #tpu.memory_space<vmem>> -> memref<96x64xf32, #tpu.memory_space<vmem>>
    tpu.enqueue_dma source(%dma_start3A_151 : memref<96x64xf32, #tpu.memory_space<vmem>>) target(%dma_start3A_147 : memref<96x64xf32, #tpu.memory_space<hbm>>) target_semaphore(%arg8 : memref<!tpu.dma_semaphore, #tpu.memory_space<semaphore_mem>>)
    %dma_wait3A_152 = arith.constant 1 : i32
    %dma_wait3A_153 = arith.constant 0 : i32
    %dma_wait3A_154 = arith.constant 0 : i32
    %dma_wait3A_155 = tpu.memref_slice %arg6[%dma_wait3A_152, %dma_wait3A_153, %dma_wait3A_154] : memref<12x96x64xf32, #tpu.memory_space<vmem>> -> memref<1x96x64xf32, #tpu.memory_space<vmem>>
    %dma_wait3A_156 = tpu.memref_squeeze %dma_wait3A_155 : memref<1x96x64xf32, #tpu.memory_space<vmem>> -> memref<96x64xf32, #tpu.memory_space<vmem>>
    %dma_wait3A_157 = arith.constant 96 : i32
    %dma_wait3A_158 = tpu.memref_slice %arg5[%dma_wait3A_157] : memref<1152xi32, #tpu.memory_space<vmem>> -> memref<96xi32, #tpu.memory_space<vmem>>
    %dma_wait3A_159 = arith.constant 0 : i32
    %dma_wait3A_160 = arith.constant 0 : i32
    %dma_wait3A_161 = tpu.memref_slice %arg2[%dma_wait3A_159, %dma_wait3A_160] : memref<1024x64xf32, #tpu.memory_space<hbm>> -> memref<1024x64xf32, #tpu.memory_space<hbm>>
    tpu.wait_indirect_dma semaphore(%arg7 : memref<!tpu.dma_semaphore, #tpu.memory_space<semaphore_mem>>) src(%dma_wait3A_161 : memref<1024x64xf32, #tpu.memory_space<hbm>>) dst(%dma_wait3A_156 : memref<96x64xf32, #tpu.memory_space<vmem>>)
    %mul3A_162 = arith.constant 2 : i32
    %mul3A_163 = arith.muli %mul3A_162, %add3A : i32
    %add3A_164 = arith.constant 0 : i32
    %add3A_165 = arith.addi %mul3A_163, %add3A_164 : i32
    %dma_start3A_166 = arith.constant 1 : i32
    %dma_start3A_167 = arith.constant 0 : i32
    %dma_start3A_168 = arith.constant 0 : i32
    %dma_start3A_169 = tpu.memref_slice %arg6[%dma_start3A_166, %dma_start3A_167, %dma_start3A_168] : memref<12x96x64xf32, #tpu.memory_space<vmem>> -> memref<1x96x64xf32, #tpu.memory_space<vmem>>
    %dma_start3A_170 = tpu.memref_squeeze %dma_start3A_169 : memref<1x96x64xf32, #tpu.memory_space<vmem>> -> memref<96x64xf32, #tpu.memory_space<vmem>>
    %dma_start3A_171 = arith.constant 96 : i32
    %dma_start3A_172 = arith.constant 0 : i32
    %dma_start3A_173 = tpu.memref_slice %arg4[%add3A_165, %dma_start3A_171, %dma_start3A_172] : memref<64x576x64xf32, #tpu.memory_space<hbm>> -> memref<1x96x64xf32, #tpu.memory_space<hbm>>
    %dma_start3A_174 = tpu.memref_squeeze %dma_start3A_173 : memref<1x96x64xf32, #tpu.memory_space<hbm>> -> memref<96x64xf32, #tpu.memory_space<hbm>>
    %dma_start3A_175 = arith.constant 96 : i32
    %dma_start3A_176 = arith.constant 0 : i32
    %dma_start3A_177 = tpu.memref_slice %arg4[%add3A_165, %dma_start3A_175, %dma_start3A_176] : memref<64x576x64xf32, #tpu.memory_space<hbm>> -> memref<1x96x64xf32, #tpu.memory_space<hbm>>
    %dma_start3A_178 = tpu.memref_squeeze %dma_start3A_177 : memref<1x96x64xf32, #tpu.memory_space<hbm>> -> memref<96x64xf32, #tpu.memory_space<hbm>>
    %dma_start3A_179 = arith.constant 0 : i32
    %dma_start3A_180 = arith.constant 0 : i32
    %dma_start3A_181 = tpu.memref_slice %arg6[%dma_start3A_166, %dma_start3A_179, %dma_start3A_180] : memref<12x96x64xf32, #tpu.memory_space<vmem>> -> memref<1x96x64xf32, #tpu.memory_space<vmem>>
    %dma_start3A_182 = tpu.memref_squeeze %dma_start3A_181 : memref<1x96x64xf32, #tpu.memory_space<vmem>> -> memref<96x64xf32, #tpu.memory_space<vmem>>
    tpu.enqueue_dma source(%dma_start3A_182 : memref<96x64xf32, #tpu.memory_space<vmem>>) target(%dma_start3A_178 : memref<96x64xf32, #tpu.memory_space<hbm>>) target_semaphore(%arg8 : memref<!tpu.dma_semaphore, #tpu.memory_space<semaphore_mem>>)
    %dma_wait3A_183 = arith.constant 2 : i32
    %dma_wait3A_184 = arith.constant 0 : i32
    %dma_wait3A_185 = arith.constant 0 : i32
    %dma_wait3A_186 = tpu.memref_slice %arg6[%dma_wait3A_183, %dma_wait3A_184, %dma_wait3A_185] : memref<12x96x64xf32, #tpu.memory_space<vmem>> -> memref<1x96x64xf32, #tpu.memory_space<vmem>>
    %dma_wait3A_187 = tpu.memref_squeeze %dma_wait3A_186 : memref<1x96x64xf32, #tpu.memory_space<vmem>> -> memref<96x64xf32, #tpu.memory_space<vmem>>
    %dma_wait3A_188 = arith.constant 192 : i32
    %dma_wait3A_189 = tpu.memref_slice %arg5[%dma_wait3A_188] : memref<1152xi32, #tpu.memory_space<vmem>> -> memref<96xi32, #tpu.memory_space<vmem>>
    %dma_wait3A_190 = arith.constant 0 : i32
    %dma_wait3A_191 = arith.constant 0 : i32
    %dma_wait3A_192 = tpu.memref_slice %arg2[%dma_wait3A_190, %dma_wait3A_191] : memref<1024x64xf32, #tpu.memory_space<hbm>> -> memref<1024x64xf32, #tpu.memory_space<hbm>>
    tpu.wait_indirect_dma semaphore(%arg7 : memref<!tpu.dma_semaphore, #tpu.memory_space<semaphore_mem>>) src(%dma_wait3A_192 : memref<1024x64xf32, #tpu.memory_space<hbm>>) dst(%dma_wait3A_187 : memref<96x64xf32, #tpu.memory_space<vmem>>)
    %mul3A_193 = arith.constant 2 : i32
    %mul3A_194 = arith.muli %mul3A_193, %add3A : i32
    %add3A_195 = arith.constant 0 : i32
    %add3A_196 = arith.addi %mul3A_194, %add3A_195 : i32
    %dma_start3A_197 = arith.constant 2 : i32
    %dma_start3A_198 = arith.constant 0 : i32
    %dma_start3A_199 = arith.constant 0 : i32
    %dma_start3A_200 = tpu.memref_slice %arg6[%dma_start3A_197, %dma_start3A_198, %dma_start3A_199] : memref<12x96x64xf32, #tpu.memory_space<vmem>> -> memref<1x96x64xf32, #tpu.memory_space<vmem>>
    %dma_start3A_201 = tpu.memref_squeeze %dma_start3A_200 : memref<1x96x64xf32, #tpu.memory_space<vmem>> -> memref<96x64xf32, #tpu.memory_space<vmem>>
    %dma_start3A_202 = arith.constant 192 : i32
    %dma_start3A_203 = arith.constant 0 : i32
    %dma_start3A_204 = tpu.memref_slice %arg4[%add3A_196, %dma_start3A_202, %dma_start3A_203] : memref<64x576x64xf32, #tpu.memory_space<hbm>> -> memref<1x96x64xf32, #tpu.memory_space<hbm>>
    %dma_start3A_205 = tpu.memref_squeeze %dma_start3A_204 : memref<1x96x64xf32, #tpu.memory_space<hbm>> -> memref<96x64xf32, #tpu.memory_space<hbm>>
    %dma_start3A_206 = arith.constant 192 : i32
    %dma_start3A_207 = arith.constant 0 : i32
    %dma_start3A_208 = tpu.memref_slice %arg4[%add3A_196, %dma_start3A_206, %dma_start3A_207] : memref<64x576x64xf32, #tpu.memory_space<hbm>> -> memref<1x96x64xf32, #tpu.memory_space<hbm>>
    %dma_start3A_209 = tpu.memref_squeeze %dma_start3A_208 : memref<1x96x64xf32, #tpu.memory_space<hbm>> -> memref<96x64xf32, #tpu.memory_space<hbm>>
    %dma_start3A_210 = arith.constant 0 : i32
    %dma_start3A_211 = arith.constant 0 : i32
    %dma_start3A_212 = tpu.memref_slice %arg6[%dma_start3A_197, %dma_start3A_210, %dma_start3A_211] : memref<12x96x64xf32, #tpu.memory_space<vmem>> -> memref<1x96x64xf32, #tpu.memory_space<vmem>>
    %dma_start3A_213 = tpu.memref_squeeze %dma_start3A_212 : memref<1x96x64xf32, #tpu.memory_space<vmem>> -> memref<96x64xf32, #tpu.memory_space<vmem>>
    tpu.enqueue_dma source(%dma_start3A_213 : memref<96x64xf32, #tpu.memory_space<vmem>>) target(%dma_start3A_209 : memref<96x64xf32, #tpu.memory_space<hbm>>) target_semaphore(%arg8 : memref<!tpu.dma_semaphore, #tpu.memory_space<semaphore_mem>>)
    %dma_wait3A_214 = arith.constant 3 : i32
    %dma_wait3A_215 = arith.constant 0 : i32
    %dma_wait3A_216 = arith.constant 0 : i32
    %dma_wait3A_217 = tpu.memref_slice %arg6[%dma_wait3A_214, %dma_wait3A_215, %dma_wait3A_216] : memref<12x96x64xf32, #tpu.memory_space<vmem>> -> memref<1x96x64xf32, #tpu.memory_space<vmem>>
    %dma_wait3A_218 = tpu.memref_squeeze %dma_wait3A_217 : memref<1x96x64xf32, #tpu.memory_space<vmem>> -> memref<96x64xf32, #tpu.memory_space<vmem>>
    %dma_wait3A_219 = arith.constant 288 : i32
    %dma_wait3A_220 = tpu.memref_slice %arg5[%dma_wait3A_219] : memref<1152xi32, #tpu.memory_space<vmem>> -> memref<96xi32, #tpu.memory_space<vmem>>
    %dma_wait3A_221 = arith.constant 0 : i32
    %dma_wait3A_222 = arith.constant 0 : i32
    %dma_wait3A_223 = tpu.memref_slice %arg2[%dma_wait3A_221, %dma_wait3A_222] : memref<1024x64xf32, #tpu.memory_space<hbm>> -> memref<1024x64xf32, #tpu.memory_space<hbm>>
    tpu.wait_indirect_dma semaphore(%arg7 : memref<!tpu.dma_semaphore, #tpu.memory_space<semaphore_mem>>) src(%dma_wait3A_223 : memref<1024x64xf32, #tpu.memory_space<hbm>>) dst(%dma_wait3A_218 : memref<96x64xf32, #tpu.memory_space<vmem>>)
    %mul3A_224 = arith.constant 2 : i32
    %mul3A_225 = arith.muli %mul3A_224, %add3A : i32
    %add3A_226 = arith.constant 0 : i32
    %add3A_227 = arith.addi %mul3A_225, %add3A_226 : i32
    %dma_start3A_228 = arith.constant 3 : i32
    %dma_start3A_229 = arith.constant 0 : i32
    %dma_start3A_230 = arith.constant 0 : i32
    %dma_start3A_231 = tpu.memref_slice %arg6[%dma_start3A_228, %dma_start3A_229, %dma_start3A_230] : memref<12x96x64xf32, #tpu.memory_space<vmem>> -> memref<1x96x64xf32, #tpu.memory_space<vmem>>
    %dma_start3A_232 = tpu.memref_squeeze %dma_start3A_231 : memref<1x96x64xf32, #tpu.memory_space<vmem>> -> memref<96x64xf32, #tpu.memory_space<vmem>>
    %dma_start3A_233 = arith.constant 288 : i32
    %dma_start3A_234 = arith.constant 0 : i32
    %dma_start3A_235 = tpu.memref_slice %arg4[%add3A_227, %dma_start3A_233, %dma_start3A_234] : memref<64x576x64xf32, #tpu.memory_space<hbm>> -> memref<1x96x64xf32, #tpu.memory_space<hbm>>
    %dma_start3A_236 = tpu.memref_squeeze %dma_start3A_235 : memref<1x96x64xf32, #tpu.memory_space<hbm>> -> memref<96x64xf32, #tpu.memory_space<hbm>>
    %dma_start3A_237 = arith.constant 288 : i32
    %dma_start3A_238 = arith.constant 0 : i32
    %dma_start3A_239 = tpu.memref_slice %arg4[%add3A_227, %dma_start3A_237, %dma_start3A_238] : memref<64x576x64xf32, #tpu.memory_space<hbm>> -> memref<1x96x64xf32, #tpu.memory_space<hbm>>
    %dma_start3A_240 = tpu.memref_squeeze %dma_start3A_239 : memref<1x96x64xf32, #tpu.memory_space<hbm>> -> memref<96x64xf32, #tpu.memory_space<hbm>>
    %dma_start3A_241 = arith.constant 0 : i32
    %dma_start3A_242 = arith.constant 0 : i32
    %dma_start3A_243 = tpu.memref_slice %arg6[%dma_start3A_228, %dma_start3A_241, %dma_start3A_242] : memref<12x96x64xf32, #tpu.memory_space<vmem>> -> memref<1x96x64xf32, #tpu.memory_space<vmem>>
    %dma_start3A_244 = tpu.memref_squeeze %dma_start3A_243 : memref<1x96x64xf32, #tpu.memory_space<vmem>> -> memref<96x64xf32, #tpu.memory_space<vmem>>
    tpu.enqueue_dma source(%dma_start3A_244 : memref<96x64xf32, #tpu.memory_space<vmem>>) target(%dma_start3A_240 : memref<96x64xf32, #tpu.memory_space<hbm>>) target_semaphore(%arg8 : memref<!tpu.dma_semaphore, #tpu.memory_space<semaphore_mem>>)
    %dma_wait3A_245 = arith.constant 4 : i32
    %dma_wait3A_246 = arith.constant 0 : i32
    %dma_wait3A_247 = arith.constant 0 : i32
    %dma_wait3A_248 = tpu.memref_slice %arg6[%dma_wait3A_245, %dma_wait3A_246, %dma_wait3A_247] : memref<12x96x64xf32, #tpu.memory_space<vmem>> -> memref<1x96x64xf32, #tpu.memory_space<vmem>>
    %dma_wait3A_249 = tpu.memref_squeeze %dma_wait3A_248 : memref<1x96x64xf32, #tpu.memory_space<vmem>> -> memref<96x64xf32, #tpu.memory_space<vmem>>
    %dma_wait3A_250 = arith.constant 384 : i32
    %dma_wait3A_251 = tpu.memref_slice %arg5[%dma_wait3A_250] : memref<1152xi32, #tpu.memory_space<vmem>> -> memref<96xi32, #tpu.memory_space<vmem>>
    %dma_wait3A_252 = arith.constant 0 : i32
    %dma_wait3A_253 = arith.constant 0 : i32
    %dma_wait3A_254 = tpu.memref_slice %arg2[%dma_wait3A_252, %dma_wait3A_253] : memref<1024x64xf32, #tpu.memory_space<hbm>> -> memref<1024x64xf32, #tpu.memory_space<hbm>>
    tpu.wait_indirect_dma semaphore(%arg7 : memref<!tpu.dma_semaphore, #tpu.memory_space<semaphore_mem>>) src(%dma_wait3A_254 : memref<1024x64xf32, #tpu.memory_space<hbm>>) dst(%dma_wait3A_249 : memref<96x64xf32, #tpu.memory_space<vmem>>)
    %mul3A_255 = arith.constant 2 : i32
    %mul3A_256 = arith.muli %mul3A_255, %add3A : i32
    %add3A_257 = arith.constant 0 : i32
    %add3A_258 = arith.addi %mul3A_256, %add3A_257 : i32
    %dma_start3A_259 = arith.constant 4 : i32
    %dma_start3A_260 = arith.constant 0 : i32
    %dma_start3A_261 = arith.constant 0 : i32
    %dma_start3A_262 = tpu.memref_slice %arg6[%dma_start3A_259, %dma_start3A_260, %dma_start3A_261] : memref<12x96x64xf32, #tpu.memory_space<vmem>> -> memref<1x96x64xf32, #tpu.memory_space<vmem>>
    %dma_start3A_263 = tpu.memref_squeeze %dma_start3A_262 : memref<1x96x64xf32, #tpu.memory_space<vmem>> -> memref<96x64xf32, #tpu.memory_space<vmem>>
    %dma_start3A_264 = arith.constant 384 : i32
    %dma_start3A_265 = arith.constant 0 : i32
    %dma_start3A_266 = tpu.memref_slice %arg4[%add3A_258, %dma_start3A_264, %dma_start3A_265] : memref<64x576x64xf32, #tpu.memory_space<hbm>> -> memref<1x96x64xf32, #tpu.memory_space<hbm>>
    %dma_start3A_267 = tpu.memref_squeeze %dma_start3A_266 : memref<1x96x64xf32, #tpu.memory_space<hbm>> -> memref<96x64xf32, #tpu.memory_space<hbm>>
    %dma_start3A_268 = arith.constant 384 : i32
    %dma_start3A_269 = arith.constant 0 : i32
    %dma_start3A_270 = tpu.memref_slice %arg4[%add3A_258, %dma_start3A_268, %dma_start3A_269] : memref<64x576x64xf32, #tpu.memory_space<hbm>> -> memref<1x96x64xf32, #tpu.memory_space<hbm>>
    %dma_start3A_271 = tpu.memref_squeeze %dma_start3A_270 : memref<1x96x64xf32, #tpu.memory_space<hbm>> -> memref<96x64xf32, #tpu.memory_space<hbm>>
    %dma_start3A_272 = arith.constant 0 : i32
    %dma_start3A_273 = arith.constant 0 : i32
    %dma_start3A_274 = tpu.memref_slice %arg6[%dma_start3A_259, %dma_start3A_272, %dma_start3A_273] : memref<12x96x64xf32, #tpu.memory_space<vmem>> -> memref<1x96x64xf32, #tpu.memory_space<vmem>>
    %dma_start3A_275 = tpu.memref_squeeze %dma_start3A_274 : memref<1x96x64xf32, #tpu.memory_space<vmem>> -> memref<96x64xf32, #tpu.memory_space<vmem>>
    tpu.enqueue_dma source(%dma_start3A_275 : memref<96x64xf32, #tpu.memory_space<vmem>>) target(%dma_start3A_271 : memref<96x64xf32, #tpu.memory_space<hbm>>) target_semaphore(%arg8 : memref<!tpu.dma_semaphore, #tpu.memory_space<semaphore_mem>>)
    %dma_wait3A_276 = arith.constant 5 : i32
    %dma_wait3A_277 = arith.constant 0 : i32
    %dma_wait3A_278 = arith.constant 0 : i32
    %dma_wait3A_279 = tpu.memref_slice %arg6[%dma_wait3A_276, %dma_wait3A_277, %dma_wait3A_278] : memref<12x96x64xf32, #tpu.memory_space<vmem>> -> memref<1x96x64xf32, #tpu.memory_space<vmem>>
    %dma_wait3A_280 = tpu.memref_squeeze %dma_wait3A_279 : memref<1x96x64xf32, #tpu.memory_space<vmem>> -> memref<96x64xf32, #tpu.memory_space<vmem>>
    %dma_wait3A_281 = arith.constant 480 : i32
    %dma_wait3A_282 = tpu.memref_slice %arg5[%dma_wait3A_281] : memref<1152xi32, #tpu.memory_space<vmem>> -> memref<96xi32, #tpu.memory_space<vmem>>
    %dma_wait3A_283 = arith.constant 0 : i32
    %dma_wait3A_284 = arith.constant 0 : i32
    %dma_wait3A_285 = tpu.memref_slice %arg2[%dma_wait3A_283, %dma_wait3A_284] : memref<1024x64xf32, #tpu.memory_space<hbm>> -> memref<1024x64xf32, #tpu.memory_space<hbm>>
    tpu.wait_indirect_dma semaphore(%arg7 : memref<!tpu.dma_semaphore, #tpu.memory_space<semaphore_mem>>) src(%dma_wait3A_285 : memref<1024x64xf32, #tpu.memory_space<hbm>>) dst(%dma_wait3A_280 : memref<96x64xf32, #tpu.memory_space<vmem>>)
    %mul3A_286 = arith.constant 2 : i32
    %mul3A_287 = arith.muli %mul3A_286, %add3A : i32
    %add3A_288 = arith.constant 0 : i32
    %add3A_289 = arith.addi %mul3A_287, %add3A_288 : i32
    %dma_start3A_290 = arith.constant 5 : i32
    %dma_start3A_291 = arith.constant 0 : i32
    %dma_start3A_292 = arith.constant 0 : i32
    %dma_start3A_293 = tpu.memref_slice %arg6[%dma_start3A_290, %dma_start3A_291, %dma_start3A_292] : memref<12x96x64xf32, #tpu.memory_space<vmem>> -> memref<1x96x64xf32, #tpu.memory_space<vmem>>
    %dma_start3A_294 = tpu.memref_squeeze %dma_start3A_293 : memref<1x96x64xf32, #tpu.memory_space<vmem>> -> memref<96x64xf32, #tpu.memory_space<vmem>>
    %dma_start3A_295 = arith.constant 480 : i32
    %dma_start3A_296 = arith.constant 0 : i32
    %dma_start3A_297 = tpu.memref_slice %arg4[%add3A_289, %dma_start3A_295, %dma_start3A_296] : memref<64x576x64xf32, #tpu.memory_space<hbm>> -> memref<1x96x64xf32, #tpu.memory_space<hbm>>
    %dma_start3A_298 = tpu.memref_squeeze %dma_start3A_297 : memref<1x96x64xf32, #tpu.memory_space<hbm>> -> memref<96x64xf32, #tpu.memory_space<hbm>>
    %dma_start3A_299 = arith.constant 480 : i32
    %dma_start3A_300 = arith.constant 0 : i32
    %dma_start3A_301 = tpu.memref_slice %arg4[%add3A_289, %dma_start3A_299, %dma_start3A_300] : memref<64x576x64xf32, #tpu.memory_space<hbm>> -> memref<1x96x64xf32, #tpu.memory_space<hbm>>
    %dma_start3A_302 = tpu.memref_squeeze %dma_start3A_301 : memref<1x96x64xf32, #tpu.memory_space<hbm>> -> memref<96x64xf32, #tpu.memory_space<hbm>>
    %dma_start3A_303 = arith.constant 0 : i32
    %dma_start3A_304 = arith.constant 0 : i32
    %dma_start3A_305 = tpu.memref_slice %arg6[%dma_start3A_290, %dma_start3A_303, %dma_start3A_304] : memref<12x96x64xf32, #tpu.memory_space<vmem>> -> memref<1x96x64xf32, #tpu.memory_space<vmem>>
    %dma_start3A_306 = tpu.memref_squeeze %dma_start3A_305 : memref<1x96x64xf32, #tpu.memory_space<vmem>> -> memref<96x64xf32, #tpu.memory_space<vmem>>
    tpu.enqueue_dma source(%dma_start3A_306 : memref<96x64xf32, #tpu.memory_space<vmem>>) target(%dma_start3A_302 : memref<96x64xf32, #tpu.memory_space<hbm>>) target_semaphore(%arg8 : memref<!tpu.dma_semaphore, #tpu.memory_space<semaphore_mem>>)
    %dma_wait3A_307 = arith.constant 6 : i32
    %dma_wait3A_308 = arith.constant 0 : i32
    %dma_wait3A_309 = arith.constant 0 : i32
    %dma_wait3A_310 = tpu.memref_slice %arg6[%dma_wait3A_307, %dma_wait3A_308, %dma_wait3A_309] : memref<12x96x64xf32, #tpu.memory_space<vmem>> -> memref<1x96x64xf32, #tpu.memory_space<vmem>>
    %dma_wait3A_311 = tpu.memref_squeeze %dma_wait3A_310 : memref<1x96x64xf32, #tpu.memory_space<vmem>> -> memref<96x64xf32, #tpu.memory_space<vmem>>
    %dma_wait3A_312 = arith.constant 576 : i32
    %dma_wait3A_313 = tpu.memref_slice %arg5[%dma_wait3A_312] : memref<1152xi32, #tpu.memory_space<vmem>> -> memref<96xi32, #tpu.memory_space<vmem>>
    %dma_wait3A_314 = arith.constant 0 : i32
    %dma_wait3A_315 = arith.constant 0 : i32
    %dma_wait3A_316 = tpu.memref_slice %arg2[%dma_wait3A_314, %dma_wait3A_315] : memref<1024x64xf32, #tpu.memory_space<hbm>> -> memref<1024x64xf32, #tpu.memory_space<hbm>>
    tpu.wait_indirect_dma semaphore(%arg7 : memref<!tpu.dma_semaphore, #tpu.memory_space<semaphore_mem>>) src(%dma_wait3A_316 : memref<1024x64xf32, #tpu.memory_space<hbm>>) dst(%dma_wait3A_311 : memref<96x64xf32, #tpu.memory_space<vmem>>)
    %mul3A_317 = arith.constant 2 : i32
    %mul3A_318 = arith.muli %mul3A_317, %add3A : i32
    %add3A_319 = arith.constant 1 : i32
    %add3A_320 = arith.addi %mul3A_318, %add3A_319 : i32
    %dma_start3A_321 = arith.constant 6 : i32
    %dma_start3A_322 = arith.constant 0 : i32
    %dma_start3A_323 = arith.constant 0 : i32
    %dma_start3A_324 = tpu.memref_slice %arg6[%dma_start3A_321, %dma_start3A_322, %dma_start3A_323] : memref<12x96x64xf32, #tpu.memory_space<vmem>> -> memref<1x96x64xf32, #tpu.memory_space<vmem>>
    %dma_start3A_325 = tpu.memref_squeeze %dma_start3A_324 : memref<1x96x64xf32, #tpu.memory_space<vmem>> -> memref<96x64xf32, #tpu.memory_space<vmem>>
    %dma_start3A_326 = arith.constant 0 : i32
    %dma_start3A_327 = arith.constant 0 : i32
    %dma_start3A_328 = tpu.memref_slice %arg4[%add3A_320, %dma_start3A_326, %dma_start3A_327] : memref<64x576x64xf32, #tpu.memory_space<hbm>> -> memref<1x96x64xf32, #tpu.memory_space<hbm>>
    %dma_start3A_329 = tpu.memref_squeeze %dma_start3A_328 : memref<1x96x64xf32, #tpu.memory_space<hbm>> -> memref<96x64xf32, #tpu.memory_space<hbm>>
    %dma_start3A_330 = arith.constant 0 : i32
    %dma_start3A_331 = arith.constant 0 : i32
    %dma_start3A_332 = tpu.memref_slice %arg4[%add3A_320, %dma_start3A_330, %dma_start3A_331] : memref<64x576x64xf32, #tpu.memory_space<hbm>> -> memref<1x96x64xf32, #tpu.memory_space<hbm>>
    %dma_start3A_333 = tpu.memref_squeeze %dma_start3A_332 : memref<1x96x64xf32, #tpu.memory_space<hbm>> -> memref<96x64xf32, #tpu.memory_space<hbm>>
    %dma_start3A_334 = arith.constant 0 : i32
    %dma_start3A_335 = arith.constant 0 : i32
    %dma_start3A_336 = tpu.memref_slice %arg6[%dma_start3A_321, %dma_start3A_334, %dma_start3A_335] : memref<12x96x64xf32, #tpu.memory_space<vmem>> -> memref<1x96x64xf32, #tpu.memory_space<vmem>>
    %dma_start3A_337 = tpu.memref_squeeze %dma_start3A_336 : memref<1x96x64xf32, #tpu.memory_space<vmem>> -> memref<96x64xf32, #tpu.memory_space<vmem>>
    tpu.enqueue_dma source(%dma_start3A_337 : memref<96x64xf32, #tpu.memory_space<vmem>>) target(%dma_start3A_333 : memref<96x64xf32, #tpu.memory_space<hbm>>) target_semaphore(%arg8 : memref<!tpu.dma_semaphore, #tpu.memory_space<semaphore_mem>>)
    %dma_wait3A_338 = arith.constant 7 : i32
    %dma_wait3A_339 = arith.constant 0 : i32
    %dma_wait3A_340 = arith.constant 0 : i32
    %dma_wait3A_341 = tpu.memref_slice %arg6[%dma_wait3A_338, %dma_wait3A_339, %dma_wait3A_340] : memref<12x96x64xf32, #tpu.memory_space<vmem>> -> memref<1x96x64xf32, #tpu.memory_space<vmem>>
    %dma_wait3A_342 = tpu.memref_squeeze %dma_wait3A_341 : memref<1x96x64xf32, #tpu.memory_space<vmem>> -> memref<96x64xf32, #tpu.memory_space<vmem>>
    %dma_wait3A_343 = arith.constant 672 : i32
    %dma_wait3A_344 = tpu.memref_slice %arg5[%dma_wait3A_343] : memref<1152xi32, #tpu.memory_space<vmem>> -> memref<96xi32, #tpu.memory_space<vmem>>
    %dma_wait3A_345 = arith.constant 0 : i32
    %dma_wait3A_346 = arith.constant 0 : i32
    %dma_wait3A_347 = tpu.memref_slice %arg2[%dma_wait3A_345, %dma_wait3A_346] : memref<1024x64xf32, #tpu.memory_space<hbm>> -> memref<1024x64xf32, #tpu.memory_space<hbm>>
    tpu.wait_indirect_dma semaphore(%arg7 : memref<!tpu.dma_semaphore, #tpu.memory_space<semaphore_mem>>) src(%dma_wait3A_347 : memref<1024x64xf32, #tpu.memory_space<hbm>>) dst(%dma_wait3A_342 : memref<96x64xf32, #tpu.memory_space<vmem>>)
    %mul3A_348 = arith.constant 2 : i32
    %mul3A_349 = arith.muli %mul3A_348, %add3A : i32
    %add3A_350 = arith.constant 1 : i32
    %add3A_351 = arith.addi %mul3A_349, %add3A_350 : i32
    %dma_start3A_352 = arith.constant 7 : i32
    %dma_start3A_353 = arith.constant 0 : i32
    %dma_start3A_354 = arith.constant 0 : i32
    %dma_start3A_355 = tpu.memref_slice %arg6[%dma_start3A_352, %dma_start3A_353, %dma_start3A_354] : memref<12x96x64xf32, #tpu.memory_space<vmem>> -> memref<1x96x64xf32, #tpu.memory_space<vmem>>
    %dma_start3A_356 = tpu.memref_squeeze %dma_start3A_355 : memref<1x96x64xf32, #tpu.memory_space<vmem>> -> memref<96x64xf32, #tpu.memory_space<vmem>>
    %dma_start3A_357 = arith.constant 96 : i32
    %dma_start3A_358 = arith.constant 0 : i32
    %dma_start3A_359 = tpu.memref_slice %arg4[%add3A_351, %dma_start3A_357, %dma_start3A_358] : memref<64x576x64xf32, #tpu.memory_space<hbm>> -> memref<1x96x64xf32, #tpu.memory_space<hbm>>
    %dma_start3A_360 = tpu.memref_squeeze %dma_start3A_359 : memref<1x96x64xf32, #tpu.memory_space<hbm>> -> memref<96x64xf32, #tpu.memory_space<hbm>>
    %dma_start3A_361 = arith.constant 96 : i32
    %dma_start3A_362 = arith.constant 0 : i32
    %dma_start3A_363 = tpu.memref_slice %arg4[%add3A_351, %dma_start3A_361, %dma_start3A_362] : memref<64x576x64xf32, #tpu.memory_space<hbm>> -> memref<1x96x64xf32, #tpu.memory_space<hbm>>
    %dma_start3A_364 = tpu.memref_squeeze %dma_start3A_363 : memref<1x96x64xf32, #tpu.memory_space<hbm>> -> memref<96x64xf32, #tpu.memory_space<hbm>>
    %dma_start3A_365 = arith.constant 0 : i32
    %dma_start3A_366 = arith.constant 0 : i32
    %dma_start3A_367 = tpu.memref_slice %arg6[%dma_start3A_352, %dma_start3A_365, %dma_start3A_366] : memref<12x96x64xf32, #tpu.memory_space<vmem>> -> memref<1x96x64xf32, #tpu.memory_space<vmem>>
    %dma_start3A_368 = tpu.memref_squeeze %dma_start3A_367 : memref<1x96x64xf32, #tpu.memory_space<vmem>> -> memref<96x64xf32, #tpu.memory_space<vmem>>
    tpu.enqueue_dma source(%dma_start3A_368 : memref<96x64xf32, #tpu.memory_space<vmem>>) target(%dma_start3A_364 : memref<96x64xf32, #tpu.memory_space<hbm>>) target_semaphore(%arg8 : memref<!tpu.dma_semaphore, #tpu.memory_space<semaphore_mem>>)
    %dma_wait3A_369 = arith.constant 8 : i32
    %dma_wait3A_370 = arith.constant 0 : i32
    %dma_wait3A_371 = arith.constant 0 : i32
    %dma_wait3A_372 = tpu.memref_slice %arg6[%dma_wait3A_369, %dma_wait3A_370, %dma_wait3A_371] : memref<12x96x64xf32, #tpu.memory_space<vmem>> -> memref<1x96x64xf32, #tpu.memory_space<vmem>>
    %dma_wait3A_373 = tpu.memref_squeeze %dma_wait3A_372 : memref<1x96x64xf32, #tpu.memory_space<vmem>> -> memref<96x64xf32, #tpu.memory_space<vmem>>
    %dma_wait3A_374 = arith.constant 768 : i32
    %dma_wait3A_375 = tpu.memref_slice %arg5[%dma_wait3A_374] : memref<1152xi32, #tpu.memory_space<vmem>> -> memref<96xi32, #tpu.memory_space<vmem>>
    %dma_wait3A_376 = arith.constant 0 : i32
    %dma_wait3A_377 = arith.constant 0 : i32
    %dma_wait3A_378 = tpu.memref_slice %arg2[%dma_wait3A_376, %dma_wait3A_377] : memref<1024x64xf32, #tpu.memory_space<hbm>> -> memref<1024x64xf32, #tpu.memory_space<hbm>>
    tpu.wait_indirect_dma semaphore(%arg7 : memref<!tpu.dma_semaphore, #tpu.memory_space<semaphore_mem>>) src(%dma_wait3A_378 : memref<1024x64xf32, #tpu.memory_space<hbm>>) dst(%dma_wait3A_373 : memref<96x64xf32, #tpu.memory_space<vmem>>)
    %mul3A_379 = arith.constant 2 : i32
    %mul3A_380 = arith.muli %mul3A_379, %add3A : i32
    %add3A_381 = arith.constant 1 : i32
    %add3A_382 = arith.addi %mul3A_380, %add3A_381 : i32
    %dma_start3A_383 = arith.constant 8 : i32
    %dma_start3A_384 = arith.constant 0 : i32
    %dma_start3A_385 = arith.constant 0 : i32
    %dma_start3A_386 = tpu.memref_slice %arg6[%dma_start3A_383, %dma_start3A_384, %dma_start3A_385] : memref<12x96x64xf32, #tpu.memory_space<vmem>> -> memref<1x96x64xf32, #tpu.memory_space<vmem>>
    %dma_start3A_387 = tpu.memref_squeeze %dma_start3A_386 : memref<1x96x64xf32, #tpu.memory_space<vmem>> -> memref<96x64xf32, #tpu.memory_space<vmem>>
    %dma_start3A_388 = arith.constant 192 : i32
    %dma_start3A_389 = arith.constant 0 : i32
    %dma_start3A_390 = tpu.memref_slice %arg4[%add3A_382, %dma_start3A_388, %dma_start3A_389] : memref<64x576x64xf32, #tpu.memory_space<hbm>> -> memref<1x96x64xf32, #tpu.memory_space<hbm>>
    %dma_start3A_391 = tpu.memref_squeeze %dma_start3A_390 : memref<1x96x64xf32, #tpu.memory_space<hbm>> -> memref<96x64xf32, #tpu.memory_space<hbm>>
    %dma_start3A_392 = arith.constant 192 : i32
    %dma_start3A_393 = arith.constant 0 : i32
    %dma_start3A_394 = tpu.memref_slice %arg4[%add3A_382, %dma_start3A_392, %dma_start3A_393] : memref<64x576x64xf32, #tpu.memory_space<hbm>> -> memref<1x96x64xf32, #tpu.memory_space<hbm>>
    %dma_start3A_395 = tpu.memref_squeeze %dma_start3A_394 : memref<1x96x64xf32, #tpu.memory_space<hbm>> -> memref<96x64xf32, #tpu.memory_space<hbm>>
    %dma_start3A_396 = arith.constant 0 : i32
    %dma_start3A_397 = arith.constant 0 : i32
    %dma_start3A_398 = tpu.memref_slice %arg6[%dma_start3A_383, %dma_start3A_396, %dma_start3A_397] : memref<12x96x64xf32, #tpu.memory_space<vmem>> -> memref<1x96x64xf32, #tpu.memory_space<vmem>>
    %dma_start3A_399 = tpu.memref_squeeze %dma_start3A_398 : memref<1x96x64xf32, #tpu.memory_space<vmem>> -> memref<96x64xf32, #tpu.memory_space<vmem>>
    tpu.enqueue_dma source(%dma_start3A_399 : memref<96x64xf32, #tpu.memory_space<vmem>>) target(%dma_start3A_395 : memref<96x64xf32, #tpu.memory_space<hbm>>) target_semaphore(%arg8 : memref<!tpu.dma_semaphore, #tpu.memory_space<semaphore_mem>>)
    %dma_wait3A_400 = arith.constant 9 : i32
    %dma_wait3A_401 = arith.constant 0 : i32
    %dma_wait3A_402 = arith.constant 0 : i32
    %dma_wait3A_403 = tpu.memref_slice %arg6[%dma_wait3A_400, %dma_wait3A_401, %dma_wait3A_402] : memref<12x96x64xf32, #tpu.memory_space<vmem>> -> memref<1x96x64xf32, #tpu.memory_space<vmem>>
    %dma_wait3A_404 = tpu.memref_squeeze %dma_wait3A_403 : memref<1x96x64xf32, #tpu.memory_space<vmem>> -> memref<96x64xf32, #tpu.memory_space<vmem>>
    %dma_wait3A_405 = arith.constant 864 : i32
    %dma_wait3A_406 = tpu.memref_slice %arg5[%dma_wait3A_405] : memref<1152xi32, #tpu.memory_space<vmem>> -> memref<96xi32, #tpu.memory_space<vmem>>
    %dma_wait3A_407 = arith.constant 0 : i32
    %dma_wait3A_408 = arith.constant 0 : i32
    %dma_wait3A_409 = tpu.memref_slice %arg2[%dma_wait3A_407, %dma_wait3A_408] : memref<1024x64xf32, #tpu.memory_space<hbm>> -> memref<1024x64xf32, #tpu.memory_space<hbm>>
    tpu.wait_indirect_dma semaphore(%arg7 : memref<!tpu.dma_semaphore, #tpu.memory_space<semaphore_mem>>) src(%dma_wait3A_409 : memref<1024x64xf32, #tpu.memory_space<hbm>>) dst(%dma_wait3A_404 : memref<96x64xf32, #tpu.memory_space<vmem>>)
    %mul3A_410 = arith.constant 2 : i32
    %mul3A_411 = arith.muli %mul3A_410, %add3A : i32
    %add3A_412 = arith.constant 1 : i32
    %add3A_413 = arith.addi %mul3A_411, %add3A_412 : i32
    %dma_start3A_414 = arith.constant 9 : i32
    %dma_start3A_415 = arith.constant 0 : i32
    %dma_start3A_416 = arith.constant 0 : i32
    %dma_start3A_417 = tpu.memref_slice %arg6[%dma_start3A_414, %dma_start3A_415, %dma_start3A_416] : memref<12x96x64xf32, #tpu.memory_space<vmem>> -> memref<1x96x64xf32, #tpu.memory_space<vmem>>
    %dma_start3A_418 = tpu.memref_squeeze %dma_start3A_417 : memref<1x96x64xf32, #tpu.memory_space<vmem>> -> memref<96x64xf32, #tpu.memory_space<vmem>>
    %dma_start3A_419 = arith.constant 288 : i32
    %dma_start3A_420 = arith.constant 0 : i32
    %dma_start3A_421 = tpu.memref_slice %arg4[%add3A_413, %dma_start3A_419, %dma_start3A_420] : memref<64x576x64xf32, #tpu.memory_space<hbm>> -> memref<1x96x64xf32, #tpu.memory_space<hbm>>
    %dma_start3A_422 = tpu.memref_squeeze %dma_start3A_421 : memref<1x96x64xf32, #tpu.memory_space<hbm>> -> memref<96x64xf32, #tpu.memory_space<hbm>>
    %dma_start3A_423 = arith.constant 288 : i32
    %dma_start3A_424 = arith.constant 0 : i32
    %dma_start3A_425 = tpu.memref_slice %arg4[%add3A_413, %dma_start3A_423, %dma_start3A_424] : memref<64x576x64xf32, #tpu.memory_space<hbm>> -> memref<1x96x64xf32, #tpu.memory_space<hbm>>
    %dma_start3A_426 = tpu.memref_squeeze %dma_start3A_425 : memref<1x96x64xf32, #tpu.memory_space<hbm>> -> memref<96x64xf32, #tpu.memory_space<hbm>>
    %dma_start3A_427 = arith.constant 0 : i32
    %dma_start3A_428 = arith.constant 0 : i32
    %dma_start3A_429 = tpu.memref_slice %arg6[%dma_start3A_414, %dma_start3A_427, %dma_start3A_428] : memref<12x96x64xf32, #tpu.memory_space<vmem>> -> memref<1x96x64xf32, #tpu.memory_space<vmem>>
    %dma_start3A_430 = tpu.memref_squeeze %dma_start3A_429 : memref<1x96x64xf32, #tpu.memory_space<vmem>> -> memref<96x64xf32, #tpu.memory_space<vmem>>
    tpu.enqueue_dma source(%dma_start3A_430 : memref<96x64xf32, #tpu.memory_space<vmem>>) target(%dma_start3A_426 : memref<96x64xf32, #tpu.memory_space<hbm>>) target_semaphore(%arg8 : memref<!tpu.dma_semaphore, #tpu.memory_space<semaphore_mem>>)
    %dma_wait3A_431 = arith.constant 10 : i32
    %dma_wait3A_432 = arith.constant 0 : i32
    %dma_wait3A_433 = arith.constant 0 : i32
    %dma_wait3A_434 = tpu.memref_slice %arg6[%dma_wait3A_431, %dma_wait3A_432, %dma_wait3A_433] : memref<12x96x64xf32, #tpu.memory_space<vmem>> -> memref<1x96x64xf32, #tpu.memory_space<vmem>>
    %dma_wait3A_435 = tpu.memref_squeeze %dma_wait3A_434 : memref<1x96x64xf32, #tpu.memory_space<vmem>> -> memref<96x64xf32, #tpu.memory_space<vmem>>
    %dma_wait3A_436 = arith.constant 960 : i32
    %dma_wait3A_437 = tpu.memref_slice %arg5[%dma_wait3A_436] : memref<1152xi32, #tpu.memory_space<vmem>> -> memref<96xi32, #tpu.memory_space<vmem>>
    %dma_wait3A_438 = arith.constant 0 : i32
    %dma_wait3A_439 = arith.constant 0 : i32
    %dma_wait3A_440 = tpu.memref_slice %arg2[%dma_wait3A_438, %dma_wait3A_439] : memref<1024x64xf32, #tpu.memory_space<hbm>> -> memref<1024x64xf32, #tpu.memory_space<hbm>>
    tpu.wait_indirect_dma semaphore(%arg7 : memref<!tpu.dma_semaphore, #tpu.memory_space<semaphore_mem>>) src(%dma_wait3A_440 : memref<1024x64xf32, #tpu.memory_space<hbm>>) dst(%dma_wait3A_435 : memref<96x64xf32, #tpu.memory_space<vmem>>)
    %mul3A_441 = arith.constant 2 : i32
    %mul3A_442 = arith.muli %mul3A_441, %add3A : i32
    %add3A_443 = arith.constant 1 : i32
    %add3A_444 = arith.addi %mul3A_442, %add3A_443 : i32
    %dma_start3A_445 = arith.constant 10 : i32
    %dma_start3A_446 = arith.constant 0 : i32
    %dma_start3A_447 = arith.constant 0 : i32
    %dma_start3A_448 = tpu.memref_slice %arg6[%dma_start3A_445, %dma_start3A_446, %dma_start3A_447] : memref<12x96x64xf32, #tpu.memory_space<vmem>> -> memref<1x96x64xf32, #tpu.memory_space<vmem>>
    %dma_start3A_449 = tpu.memref_squeeze %dma_start3A_448 : memref<1x96x64xf32, #tpu.memory_space<vmem>> -> memref<96x64xf32, #tpu.memory_space<vmem>>
    %dma_start3A_450 = arith.constant 384 : i32
    %dma_start3A_451 = arith.constant 0 : i32
    %dma_start3A_452 = tpu.memref_slice %arg4[%add3A_444, %dma_start3A_450, %dma_start3A_451] : memref<64x576x64xf32, #tpu.memory_space<hbm>> -> memref<1x96x64xf32, #tpu.memory_space<hbm>>
    %dma_start3A_453 = tpu.memref_squeeze %dma_start3A_452 : memref<1x96x64xf32, #tpu.memory_space<hbm>> -> memref<96x64xf32, #tpu.memory_space<hbm>>
    %dma_start3A_454 = arith.constant 384 : i32
    %dma_start3A_455 = arith.constant 0 : i32
    %dma_start3A_456 = tpu.memref_slice %arg4[%add3A_444, %dma_start3A_454, %dma_start3A_455] : memref<64x576x64xf32, #tpu.memory_space<hbm>> -> memref<1x96x64xf32, #tpu.memory_space<hbm>>
    %dma_start3A_457 = tpu.memref_squeeze %dma_start3A_456 : memref<1x96x64xf32, #tpu.memory_space<hbm>> -> memref<96x64xf32, #tpu.memory_space<hbm>>
    %dma_start3A_458 = arith.constant 0 : i32
    %dma_start3A_459 = arith.constant 0 : i32
    %dma_start3A_460 = tpu.memref_slice %arg6[%dma_start3A_445, %dma_start3A_458, %dma_start3A_459] : memref<12x96x64xf32, #tpu.memory_space<vmem>> -> memref<1x96x64xf32, #tpu.memory_space<vmem>>
    %dma_start3A_461 = tpu.memref_squeeze %dma_start3A_460 : memref<1x96x64xf32, #tpu.memory_space<vmem>> -> memref<96x64xf32, #tpu.memory_space<vmem>>
    tpu.enqueue_dma source(%dma_start3A_461 : memref<96x64xf32, #tpu.memory_space<vmem>>) target(%dma_start3A_457 : memref<96x64xf32, #tpu.memory_space<hbm>>) target_semaphore(%arg8 : memref<!tpu.dma_semaphore, #tpu.memory_space<semaphore_mem>>)
    %dma_wait3A_462 = arith.constant 11 : i32
    %dma_wait3A_463 = arith.constant 0 : i32
    %dma_wait3A_464 = arith.constant 0 : i32
    %dma_wait3A_465 = tpu.memref_slice %arg6[%dma_wait3A_462, %dma_wait3A_463, %dma_wait3A_464] : memref<12x96x64xf32, #tpu.memory_space<vmem>> -> memref<1x96x64xf32, #tpu.memory_space<vmem>>
    %dma_wait3A_466 = tpu.memref_squeeze %dma_wait3A_465 : memref<1x96x64xf32, #tpu.memory_space<vmem>> -> memref<96x64xf32, #tpu.memory_space<vmem>>
    %dma_wait3A_467 = arith.constant 1056 : i32
    %dma_wait3A_468 = tpu.memref_slice %arg5[%dma_wait3A_467] : memref<1152xi32, #tpu.memory_space<vmem>> -> memref<96xi32, #tpu.memory_space<vmem>>
    %dma_wait3A_469 = arith.constant 0 : i32
    %dma_wait3A_470 = arith.constant 0 : i32
    %dma_wait3A_471 = tpu.memref_slice %arg2[%dma_wait3A_469, %dma_wait3A_470] : memref<1024x64xf32, #tpu.memory_space<hbm>> -> memref<1024x64xf32, #tpu.memory_space<hbm>>
    tpu.wait_indirect_dma semaphore(%arg7 : memref<!tpu.dma_semaphore, #tpu.memory_space<semaphore_mem>>) src(%dma_wait3A_471 : memref<1024x64xf32, #tpu.memory_space<hbm>>) dst(%dma_wait3A_466 : memref<96x64xf32, #tpu.memory_space<vmem>>)
    %mul3A_472 = arith.constant 2 : i32
    %mul3A_473 = arith.muli %mul3A_472, %add3A : i32
    %add3A_474 = arith.constant 1 : i32
    %add3A_475 = arith.addi %mul3A_473, %add3A_474 : i32
    %dma_start3A_476 = arith.constant 11 : i32
    %dma_start3A_477 = arith.constant 0 : i32
    %dma_start3A_478 = arith.constant 0 : i32
    %dma_start3A_479 = tpu.memref_slice %arg6[%dma_start3A_476, %dma_start3A_477, %dma_start3A_478] : memref<12x96x64xf32, #tpu.memory_space<vmem>> -> memref<1x96x64xf32, #tpu.memory_space<vmem>>
    %dma_start3A_480 = tpu.memref_squeeze %dma_start3A_479 : memref<1x96x64xf32, #tpu.memory_space<vmem>> -> memref<96x64xf32, #tpu.memory_space<vmem>>
    %dma_start3A_481 = arith.constant 480 : i32
    %dma_start3A_482 = arith.constant 0 : i32
    %dma_start3A_483 = tpu.memref_slice %arg4[%add3A_475, %dma_start3A_481, %dma_start3A_482] : memref<64x576x64xf32, #tpu.memory_space<hbm>> -> memref<1x96x64xf32, #tpu.memory_space<hbm>>
    %dma_start3A_484 = tpu.memref_squeeze %dma_start3A_483 : memref<1x96x64xf32, #tpu.memory_space<hbm>> -> memref<96x64xf32, #tpu.memory_space<hbm>>
    %dma_start3A_485 = arith.constant 480 : i32
    %dma_start3A_486 = arith.constant 0 : i32
    %dma_start3A_487 = tpu.memref_slice %arg4[%add3A_475, %dma_start3A_485, %dma_start3A_486] : memref<64x576x64xf32, #tpu.memory_space<hbm>> -> memref<1x96x64xf32, #tpu.memory_space<hbm>>
    %dma_start3A_488 = tpu.memref_squeeze %dma_start3A_487 : memref<1x96x64xf32, #tpu.memory_space<hbm>> -> memref<96x64xf32, #tpu.memory_space<hbm>>
    %dma_start3A_489 = arith.constant 0 : i32
    %dma_start3A_490 = arith.constant 0 : i32
    %dma_start3A_491 = tpu.memref_slice %arg6[%dma_start3A_476, %dma_start3A_489, %dma_start3A_490] : memref<12x96x64xf32, #tpu.memory_space<vmem>> -> memref<1x96x64xf32, #tpu.memory_space<vmem>>
    %dma_start3A_492 = tpu.memref_squeeze %dma_start3A_491 : memref<1x96x64xf32, #tpu.memory_space<vmem>> -> memref<96x64xf32, #tpu.memory_space<vmem>>
    tpu.enqueue_dma source(%dma_start3A_492 : memref<96x64xf32, #tpu.memory_space<vmem>>) target(%dma_start3A_488 : memref<96x64xf32, #tpu.memory_space<hbm>>) target_semaphore(%arg8 : memref<!tpu.dma_semaphore, #tpu.memory_space<semaphore_mem>>)
    %dma_wait3A_493 = arith.constant 0 : i32
    %dma_wait3A_494 = arith.constant 0 : i32
    %dma_wait3A_495 = arith.constant 0 : i32
    %dma_wait3A_496 = tpu.memref_slice %arg6[%dma_wait3A_493, %dma_wait3A_494, %dma_wait3A_495] : memref<12x96x64xf32, #tpu.memory_space<vmem>> -> memref<1x96x64xf32, #tpu.memory_space<vmem>>
    %dma_wait3A_497 = tpu.memref_squeeze %dma_wait3A_496 : memref<1x96x64xf32, #tpu.memory_space<vmem>> -> memref<96x64xf32, #tpu.memory_space<vmem>>
    %dma_wait3A_498 = arith.constant 0 : i32
    %dma_wait3A_499 = arith.constant 0 : i32
    %dma_wait3A_500 = tpu.memref_slice %arg4[%add3A_134, %dma_wait3A_498, %dma_wait3A_499] : memref<64x576x64xf32, #tpu.memory_space<hbm>> -> memref<1x96x64xf32, #tpu.memory_space<hbm>>
    %dma_wait3A_501 = tpu.memref_squeeze %dma_wait3A_500 : memref<1x96x64xf32, #tpu.memory_space<hbm>> -> memref<96x64xf32, #tpu.memory_space<hbm>>
    %dma_wait3A_502 = arith.constant 0 : i32
    %dma_wait3A_503 = arith.constant 0 : i32
    %dma_wait3A_504 = tpu.memref_slice %arg4[%add3A_134, %dma_wait3A_502, %dma_wait3A_503] : memref<64x576x64xf32, #tpu.memory_space<hbm>> -> memref<1x96x64xf32, #tpu.memory_space<hbm>>
    %dma_wait3A_505 = tpu.memref_squeeze %dma_wait3A_504 : memref<1x96x64xf32, #tpu.memory_space<hbm>> -> memref<96x64xf32, #tpu.memory_space<hbm>>
    %dma_wait3A_506 = arith.constant 0 : i32
    %dma_wait3A_507 = arith.constant 0 : i32
    %dma_wait3A_508 = tpu.memref_slice %arg6[%dma_wait3A_493, %dma_wait3A_506, %dma_wait3A_507] : memref<12x96x64xf32, #tpu.memory_space<vmem>> -> memref<1x96x64xf32, #tpu.memory_space<vmem>>
    %dma_wait3A_509 = tpu.memref_squeeze %dma_wait3A_508 : memref<1x96x64xf32, #tpu.memory_space<vmem>> -> memref<96x64xf32, #tpu.memory_space<vmem>>
    tpu.wait_dma2 semaphore(%arg8 : memref<!tpu.dma_semaphore, #tpu.memory_space<semaphore_mem>>) src(%dma_wait3A_509 : memref<96x64xf32, #tpu.memory_space<vmem>>) dst(%dma_wait3A_505 : memref<96x64xf32, #tpu.memory_space<hbm>>)
    %dma_wait3A_510 = arith.constant 1 : i32
    %dma_wait3A_511 = arith.constant 0 : i32
    %dma_wait3A_512 = arith.constant 0 : i32
    %dma_wait3A_513 = tpu.memref_slice %arg6[%dma_wait3A_510, %dma_wait3A_511, %dma_wait3A_512] : memref<12x96x64xf32, #tpu.memory_space<vmem>> -> memref<1x96x64xf32, #tpu.memory_space<vmem>>
    %dma_wait3A_514 = tpu.memref_squeeze %dma_wait3A_513 : memref<1x96x64xf32, #tpu.memory_space<vmem>> -> memref<96x64xf32, #tpu.memory_space<vmem>>
    %dma_wait3A_515 = arith.constant 96 : i32
    %dma_wait3A_516 = arith.constant 0 : i32
    %dma_wait3A_517 = tpu.memref_slice %arg4[%add3A_165, %dma_wait3A_515, %dma_wait3A_516] : memref<64x576x64xf32, #tpu.memory_space<hbm>> -> memref<1x96x64xf32, #tpu.memory_space<hbm>>
    %dma_wait3A_518 = tpu.memref_squeeze %dma_wait3A_517 : memref<1x96x64xf32, #tpu.memory_space<hbm>> -> memref<96x64xf32, #tpu.memory_space<hbm>>
    %dma_wait3A_519 = arith.constant 96 : i32
    %dma_wait3A_520 = arith.constant 0 : i32
    %dma_wait3A_521 = tpu.memref_slice %arg4[%add3A_165, %dma_wait3A_519, %dma_wait3A_520] : memref<64x576x64xf32, #tpu.memory_space<hbm>> -> memref<1x96x64xf32, #tpu.memory_space<hbm>>
    %dma_wait3A_522 = tpu.memref_squeeze %dma_wait3A_521 : memref<1x96x64xf32, #tpu.memory_space<hbm>> -> memref<96x64xf32, #tpu.memory_space<hbm>>
    %dma_wait3A_523 = arith.constant 0 : i32
    %dma_wait3A_524 = arith.constant 0 : i32
    %dma_wait3A_525 = tpu.memref_slice %arg6[%dma_wait3A_510, %dma_wait3A_523, %dma_wait3A_524] : memref<12x96x64xf32, #tpu.memory_space<vmem>> -> memref<1x96x64xf32, #tpu.memory_space<vmem>>
    %dma_wait3A_526 = tpu.memref_squeeze %dma_wait3A_525 : memref<1x96x64xf32, #tpu.memory_space<vmem>> -> memref<96x64xf32, #tpu.memory_space<vmem>>
    tpu.wait_dma2 semaphore(%arg8 : memref<!tpu.dma_semaphore, #tpu.memory_space<semaphore_mem>>) src(%dma_wait3A_526 : memref<96x64xf32, #tpu.memory_space<vmem>>) dst(%dma_wait3A_522 : memref<96x64xf32, #tpu.memory_space<hbm>>)
    %dma_wait3A_527 = arith.constant 2 : i32
    %dma_wait3A_528 = arith.constant 0 : i32
    %dma_wait3A_529 = arith.constant 0 : i32
    %dma_wait3A_530 = tpu.memref_slice %arg6[%dma_wait3A_527, %dma_wait3A_528, %dma_wait3A_529] : memref<12x96x64xf32, #tpu.memory_space<vmem>> -> memref<1x96x64xf32, #tpu.memory_space<vmem>>
    %dma_wait3A_531 = tpu.memref_squeeze %dma_wait3A_530 : memref<1x96x64xf32, #tpu.memory_space<vmem>> -> memref<96x64xf32, #tpu.memory_space<vmem>>
    %dma_wait3A_532 = arith.constant 192 : i32
    %dma_wait3A_533 = arith.constant 0 : i32
    %dma_wait3A_534 = tpu.memref_slice %arg4[%add3A_196, %dma_wait3A_532, %dma_wait3A_533] : memref<64x576x64xf32, #tpu.memory_space<hbm>> -> memref<1x96x64xf32, #tpu.memory_space<hbm>>
    %dma_wait3A_535 = tpu.memref_squeeze %dma_wait3A_534 : memref<1x96x64xf32, #tpu.memory_space<hbm>> -> memref<96x64xf32, #tpu.memory_space<hbm>>
    %dma_wait3A_536 = arith.constant 192 : i32
    %dma_wait3A_537 = arith.constant 0 : i32
    %dma_wait3A_538 = tpu.memref_slice %arg4[%add3A_196, %dma_wait3A_536, %dma_wait3A_537] : memref<64x576x64xf32, #tpu.memory_space<hbm>> -> memref<1x96x64xf32, #tpu.memory_space<hbm>>
    %dma_wait3A_539 = tpu.memref_squeeze %dma_wait3A_538 : memref<1x96x64xf32, #tpu.memory_space<hbm>> -> memref<96x64xf32, #tpu.memory_space<hbm>>
    %dma_wait3A_540 = arith.constant 0 : i32
    %dma_wait3A_541 = arith.constant 0 : i32
    %dma_wait3A_542 = tpu.memref_slice %arg6[%dma_wait3A_527, %dma_wait3A_540, %dma_wait3A_541] : memref<12x96x64xf32, #tpu.memory_space<vmem>> -> memref<1x96x64xf32, #tpu.memory_space<vmem>>
    %dma_wait3A_543 = tpu.memref_squeeze %dma_wait3A_542 : memref<1x96x64xf32, #tpu.memory_space<vmem>> -> memref<96x64xf32, #tpu.memory_space<vmem>>
    tpu.wait_dma2 semaphore(%arg8 : memref<!tpu.dma_semaphore, #tpu.memory_space<semaphore_mem>>) src(%dma_wait3A_543 : memref<96x64xf32, #tpu.memory_space<vmem>>) dst(%dma_wait3A_539 : memref<96x64xf32, #tpu.memory_space<hbm>>)
    %dma_wait3A_544 = arith.constant 3 : i32
    %dma_wait3A_545 = arith.constant 0 : i32
    %dma_wait3A_546 = arith.constant 0 : i32
    %dma_wait3A_547 = tpu.memref_slice %arg6[%dma_wait3A_544, %dma_wait3A_545, %dma_wait3A_546] : memref<12x96x64xf32, #tpu.memory_space<vmem>> -> memref<1x96x64xf32, #tpu.memory_space<vmem>>
    %dma_wait3A_548 = tpu.memref_squeeze %dma_wait3A_547 : memref<1x96x64xf32, #tpu.memory_space<vmem>> -> memref<96x64xf32, #tpu.memory_space<vmem>>
    %dma_wait3A_549 = arith.constant 288 : i32
    %dma_wait3A_550 = arith.constant 0 : i32
    %dma_wait3A_551 = tpu.memref_slice %arg4[%add3A_227, %dma_wait3A_549, %dma_wait3A_550] : memref<64x576x64xf32, #tpu.memory_space<hbm>> -> memref<1x96x64xf32, #tpu.memory_space<hbm>>
    %dma_wait3A_552 = tpu.memref_squeeze %dma_wait3A_551 : memref<1x96x64xf32, #tpu.memory_space<hbm>> -> memref<96x64xf32, #tpu.memory_space<hbm>>
    %dma_wait3A_553 = arith.constant 288 : i32
    %dma_wait3A_554 = arith.constant 0 : i32
    %dma_wait3A_555 = tpu.memref_slice %arg4[%add3A_227, %dma_wait3A_553, %dma_wait3A_554] : memref<64x576x64xf32, #tpu.memory_space<hbm>> -> memref<1x96x64xf32, #tpu.memory_space<hbm>>
    %dma_wait3A_556 = tpu.memref_squeeze %dma_wait3A_555 : memref<1x96x64xf32, #tpu.memory_space<hbm>> -> memref<96x64xf32, #tpu.memory_space<hbm>>
    %dma_wait3A_557 = arith.constant 0 : i32
    %dma_wait3A_558 = arith.constant 0 : i32
    %dma_wait3A_559 = tpu.memref_slice %arg6[%dma_wait3A_544, %dma_wait3A_557, %dma_wait3A_558] : memref<12x96x64xf32, #tpu.memory_space<vmem>> -> memref<1x96x64xf32, #tpu.memory_space<vmem>>
    %dma_wait3A_560 = tpu.memref_squeeze %dma_wait3A_559 : memref<1x96x64xf32, #tpu.memory_space<vmem>> -> memref<96x64xf32, #tpu.memory_space<vmem>>
    tpu.wait_dma2 semaphore(%arg8 : memref<!tpu.dma_semaphore, #tpu.memory_space<semaphore_mem>>) src(%dma_wait3A_560 : memref<96x64xf32, #tpu.memory_space<vmem>>) dst(%dma_wait3A_556 : memref<96x64xf32, #tpu.memory_space<hbm>>)
    %dma_wait3A_561 = arith.constant 4 : i32
    %dma_wait3A_562 = arith.constant 0 : i32
    %dma_wait3A_563 = arith.constant 0 : i32
    %dma_wait3A_564 = tpu.memref_slice %arg6[%dma_wait3A_561, %dma_wait3A_562, %dma_wait3A_563] : memref<12x96x64xf32, #tpu.memory_space<vmem>> -> memref<1x96x64xf32, #tpu.memory_space<vmem>>
    %dma_wait3A_565 = tpu.memref_squeeze %dma_wait3A_564 : memref<1x96x64xf32, #tpu.memory_space<vmem>> -> memref<96x64xf32, #tpu.memory_space<vmem>>
    %dma_wait3A_566 = arith.constant 384 : i32
    %dma_wait3A_567 = arith.constant 0 : i32
    %dma_wait3A_568 = tpu.memref_slice %arg4[%add3A_258, %dma_wait3A_566, %dma_wait3A_567] : memref<64x576x64xf32, #tpu.memory_space<hbm>> -> memref<1x96x64xf32, #tpu.memory_space<hbm>>
    %dma_wait3A_569 = tpu.memref_squeeze %dma_wait3A_568 : memref<1x96x64xf32, #tpu.memory_space<hbm>> -> memref<96x64xf32, #tpu.memory_space<hbm>>
    %dma_wait3A_570 = arith.constant 384 : i32
    %dma_wait3A_571 = arith.constant 0 : i32
    %dma_wait3A_572 = tpu.memref_slice %arg4[%add3A_258, %dma_wait3A_570, %dma_wait3A_571] : memref<64x576x64xf32, #tpu.memory_space<hbm>> -> memref<1x96x64xf32, #tpu.memory_space<hbm>>
    %dma_wait3A_573 = tpu.memref_squeeze %dma_wait3A_572 : memref<1x96x64xf32, #tpu.memory_space<hbm>> -> memref<96x64xf32, #tpu.memory_space<hbm>>
    %dma_wait3A_574 = arith.constant 0 : i32
    %dma_wait3A_575 = arith.constant 0 : i32
    %dma_wait3A_576 = tpu.memref_slice %arg6[%dma_wait3A_561, %dma_wait3A_574, %dma_wait3A_575] : memref<12x96x64xf32, #tpu.memory_space<vmem>> -> memref<1x96x64xf32, #tpu.memory_space<vmem>>
    %dma_wait3A_577 = tpu.memref_squeeze %dma_wait3A_576 : memref<1x96x64xf32, #tpu.memory_space<vmem>> -> memref<96x64xf32, #tpu.memory_space<vmem>>
    tpu.wait_dma2 semaphore(%arg8 : memref<!tpu.dma_semaphore, #tpu.memory_space<semaphore_mem>>) src(%dma_wait3A_577 : memref<96x64xf32, #tpu.memory_space<vmem>>) dst(%dma_wait3A_573 : memref<96x64xf32, #tpu.memory_space<hbm>>)
    %dma_wait3A_578 = arith.constant 5 : i32
    %dma_wait3A_579 = arith.constant 0 : i32
    %dma_wait3A_580 = arith.constant 0 : i32
    %dma_wait3A_581 = tpu.memref_slice %arg6[%dma_wait3A_578, %dma_wait3A_579, %dma_wait3A_580] : memref<12x96x64xf32, #tpu.memory_space<vmem>> -> memref<1x96x64xf32, #tpu.memory_space<vmem>>
    %dma_wait3A_582 = tpu.memref_squeeze %dma_wait3A_581 : memref<1x96x64xf32, #tpu.memory_space<vmem>> -> memref<96x64xf32, #tpu.memory_space<vmem>>
    %dma_wait3A_583 = arith.constant 480 : i32
    %dma_wait3A_584 = arith.constant 0 : i32
    %dma_wait3A_585 = tpu.memref_slice %arg4[%add3A_289, %dma_wait3A_583, %dma_wait3A_584] : memref<64x576x64xf32, #tpu.memory_space<hbm>> -> memref<1x96x64xf32, #tpu.memory_space<hbm>>
    %dma_wait3A_586 = tpu.memref_squeeze %dma_wait3A_585 : memref<1x96x64xf32, #tpu.memory_space<hbm>> -> memref<96x64xf32, #tpu.memory_space<hbm>>
    %dma_wait3A_587 = arith.constant 480 : i32
    %dma_wait3A_588 = arith.constant 0 : i32
    %dma_wait3A_589 = tpu.memref_slice %arg4[%add3A_289, %dma_wait3A_587, %dma_wait3A_588] : memref<64x576x64xf32, #tpu.memory_space<hbm>> -> memref<1x96x64xf32, #tpu.memory_space<hbm>>
    %dma_wait3A_590 = tpu.memref_squeeze %dma_wait3A_589 : memref<1x96x64xf32, #tpu.memory_space<hbm>> -> memref<96x64xf32, #tpu.memory_space<hbm>>
    %dma_wait3A_591 = arith.constant 0 : i32
    %dma_wait3A_592 = arith.constant 0 : i32
    %dma_wait3A_593 = tpu.memref_slice %arg6[%dma_wait3A_578, %dma_wait3A_591, %dma_wait3A_592] : memref<12x96x64xf32, #tpu.memory_space<vmem>> -> memref<1x96x64xf32, #tpu.memory_space<vmem>>
    %dma_wait3A_594 = tpu.memref_squeeze %dma_wait3A_593 : memref<1x96x64xf32, #tpu.memory_space<vmem>> -> memref<96x64xf32, #tpu.memory_space<vmem>>
    tpu.wait_dma2 semaphore(%arg8 : memref<!tpu.dma_semaphore, #tpu.memory_space<semaphore_mem>>) src(%dma_wait3A_594 : memref<96x64xf32, #tpu.memory_space<vmem>>) dst(%dma_wait3A_590 : memref<96x64xf32, #tpu.memory_space<hbm>>)
    %dma_wait3A_595 = arith.constant 6 : i32
    %dma_wait3A_596 = arith.constant 0 : i32
    %dma_wait3A_597 = arith.constant 0 : i32
    %dma_wait3A_598 = tpu.memref_slice %arg6[%dma_wait3A_595, %dma_wait3A_596, %dma_wait3A_597] : memref<12x96x64xf32, #tpu.memory_space<vmem>> -> memref<1x96x64xf32, #tpu.memory_space<vmem>>
    %dma_wait3A_599 = tpu.memref_squeeze %dma_wait3A_598 : memref<1x96x64xf32, #tpu.memory_space<vmem>> -> memref<96x64xf32, #tpu.memory_space<vmem>>
    %dma_wait3A_600 = arith.constant 0 : i32
    %dma_wait3A_601 = arith.constant 0 : i32
    %dma_wait3A_602 = tpu.memref_slice %arg4[%add3A_320, %dma_wait3A_600, %dma_wait3A_601] : memref<64x576x64xf32, #tpu.memory_space<hbm>> -> memref<1x96x64xf32, #tpu.memory_space<hbm>>
    %dma_wait3A_603 = tpu.memref_squeeze %dma_wait3A_602 : memref<1x96x64xf32, #tpu.memory_space<hbm>> -> memref<96x64xf32, #tpu.memory_space<hbm>>
    %dma_wait3A_604 = arith.constant 0 : i32
    %dma_wait3A_605 = arith.constant 0 : i32
    %dma_wait3A_606 = tpu.memref_slice %arg4[%add3A_320, %dma_wait3A_604, %dma_wait3A_605] : memref<64x576x64xf32, #tpu.memory_space<hbm>> -> memref<1x96x64xf32, #tpu.memory_space<hbm>>
    %dma_wait3A_607 = tpu.memref_squeeze %dma_wait3A_606 : memref<1x96x64xf32, #tpu.memory_space<hbm>> -> memref<96x64xf32, #tpu.memory_space<hbm>>
    %dma_wait3A_608 = arith.constant 0 : i32
    %dma_wait3A_609 = arith.constant 0 : i32
    %dma_wait3A_610 = tpu.memref_slice %arg6[%dma_wait3A_595, %dma_wait3A_608, %dma_wait3A_609] : memref<12x96x64xf32, #tpu.memory_space<vmem>> -> memref<1x96x64xf32, #tpu.memory_space<vmem>>
    %dma_wait3A_611 = tpu.memref_squeeze %dma_wait3A_610 : memref<1x96x64xf32, #tpu.memory_space<vmem>> -> memref<96x64xf32, #tpu.memory_space<vmem>>
    tpu.wait_dma2 semaphore(%arg8 : memref<!tpu.dma_semaphore, #tpu.memory_space<semaphore_mem>>) src(%dma_wait3A_611 : memref<96x64xf32, #tpu.memory_space<vmem>>) dst(%dma_wait3A_607 : memref<96x64xf32, #tpu.memory_space<hbm>>)
    %dma_wait3A_612 = arith.constant 7 : i32
    %dma_wait3A_613 = arith.constant 0 : i32
    %dma_wait3A_614 = arith.constant 0 : i32
    %dma_wait3A_615 = tpu.memref_slice %arg6[%dma_wait3A_612, %dma_wait3A_613, %dma_wait3A_614] : memref<12x96x64xf32, #tpu.memory_space<vmem>> -> memref<1x96x64xf32, #tpu.memory_space<vmem>>
    %dma_wait3A_616 = tpu.memref_squeeze %dma_wait3A_615 : memref<1x96x64xf32, #tpu.memory_space<vmem>> -> memref<96x64xf32, #tpu.memory_space<vmem>>
    %dma_wait3A_617 = arith.constant 96 : i32
    %dma_wait3A_618 = arith.constant 0 : i32
    %dma_wait3A_619 = tpu.memref_slice %arg4[%add3A_351, %dma_wait3A_617, %dma_wait3A_618] : memref<64x576x64xf32, #tpu.memory_space<hbm>> -> memref<1x96x64xf32, #tpu.memory_space<hbm>>
    %dma_wait3A_620 = tpu.memref_squeeze %dma_wait3A_619 : memref<1x96x64xf32, #tpu.memory_space<hbm>> -> memref<96x64xf32, #tpu.memory_space<hbm>>
    %dma_wait3A_621 = arith.constant 96 : i32
    %dma_wait3A_622 = arith.constant 0 : i32
    %dma_wait3A_623 = tpu.memref_slice %arg4[%add3A_351, %dma_wait3A_621, %dma_wait3A_622] : memref<64x576x64xf32, #tpu.memory_space<hbm>> -> memref<1x96x64xf32, #tpu.memory_space<hbm>>
    %dma_wait3A_624 = tpu.memref_squeeze %dma_wait3A_623 : memref<1x96x64xf32, #tpu.memory_space<hbm>> -> memref<96x64xf32, #tpu.memory_space<hbm>>
    %dma_wait3A_625 = arith.constant 0 : i32
    %dma_wait3A_626 = arith.constant 0 : i32
    %dma_wait3A_627 = tpu.memref_slice %arg6[%dma_wait3A_612, %dma_wait3A_625, %dma_wait3A_626] : memref<12x96x64xf32, #tpu.memory_space<vmem>> -> memref<1x96x64xf32, #tpu.memory_space<vmem>>
    %dma_wait3A_628 = tpu.memref_squeeze %dma_wait3A_627 : memref<1x96x64xf32, #tpu.memory_space<vmem>> -> memref<96x64xf32, #tpu.memory_space<vmem>>
    tpu.wait_dma2 semaphore(%arg8 : memref<!tpu.dma_semaphore, #tpu.memory_space<semaphore_mem>>) src(%dma_wait3A_628 : memref<96x64xf32, #tpu.memory_space<vmem>>) dst(%dma_wait3A_624 : memref<96x64xf32, #tpu.memory_space<hbm>>)
    %dma_wait3A_629 = arith.constant 8 : i32
    %dma_wait3A_630 = arith.constant 0 : i32
    %dma_wait3A_631 = arith.constant 0 : i32
    %dma_wait3A_632 = tpu.memref_slice %arg6[%dma_wait3A_629, %dma_wait3A_630, %dma_wait3A_631] : memref<12x96x64xf32, #tpu.memory_space<vmem>> -> memref<1x96x64xf32, #tpu.memory_space<vmem>>
    %dma_wait3A_633 = tpu.memref_squeeze %dma_wait3A_632 : memref<1x96x64xf32, #tpu.memory_space<vmem>> -> memref<96x64xf32, #tpu.memory_space<vmem>>
    %dma_wait3A_634 = arith.constant 192 : i32
    %dma_wait3A_635 = arith.constant 0 : i32
    %dma_wait3A_636 = tpu.memref_slice %arg4[%add3A_382, %dma_wait3A_634, %dma_wait3A_635] : memref<64x576x64xf32, #tpu.memory_space<hbm>> -> memref<1x96x64xf32, #tpu.memory_space<hbm>>
    %dma_wait3A_637 = tpu.memref_squeeze %dma_wait3A_636 : memref<1x96x64xf32, #tpu.memory_space<hbm>> -> memref<96x64xf32, #tpu.memory_space<hbm>>
    %dma_wait3A_638 = arith.constant 192 : i32
    %dma_wait3A_639 = arith.constant 0 : i32
    %dma_wait3A_640 = tpu.memref_slice %arg4[%add3A_382, %dma_wait3A_638, %dma_wait3A_639] : memref<64x576x64xf32, #tpu.memory_space<hbm>> -> memref<1x96x64xf32, #tpu.memory_space<hbm>>
    %dma_wait3A_641 = tpu.memref_squeeze %dma_wait3A_640 : memref<1x96x64xf32, #tpu.memory_space<hbm>> -> memref<96x64xf32, #tpu.memory_space<hbm>>
    %dma_wait3A_642 = arith.constant 0 : i32
    %dma_wait3A_643 = arith.constant 0 : i32
    %dma_wait3A_644 = tpu.memref_slice %arg6[%dma_wait3A_629, %dma_wait3A_642, %dma_wait3A_643] : memref<12x96x64xf32, #tpu.memory_space<vmem>> -> memref<1x96x64xf32, #tpu.memory_space<vmem>>
    %dma_wait3A_645 = tpu.memref_squeeze %dma_wait3A_644 : memref<1x96x64xf32, #tpu.memory_space<vmem>> -> memref<96x64xf32, #tpu.memory_space<vmem>>
    tpu.wait_dma2 semaphore(%arg8 : memref<!tpu.dma_semaphore, #tpu.memory_space<semaphore_mem>>) src(%dma_wait3A_645 : memref<96x64xf32, #tpu.memory_space<vmem>>) dst(%dma_wait3A_641 : memref<96x64xf32, #tpu.memory_space<hbm>>)
    %dma_wait3A_646 = arith.constant 9 : i32
    %dma_wait3A_647 = arith.constant 0 : i32
    %dma_wait3A_648 = arith.constant 0 : i32
    %dma_wait3A_649 = tpu.memref_slice %arg6[%dma_wait3A_646, %dma_wait3A_647, %dma_wait3A_648] : memref<12x96x64xf32, #tpu.memory_space<vmem>> -> memref<1x96x64xf32, #tpu.memory_space<vmem>>
    %dma_wait3A_650 = tpu.memref_squeeze %dma_wait3A_649 : memref<1x96x64xf32, #tpu.memory_space<vmem>> -> memref<96x64xf32, #tpu.memory_space<vmem>>
    %dma_wait3A_651 = arith.constant 288 : i32
    %dma_wait3A_652 = arith.constant 0 : i32
    %dma_wait3A_653 = tpu.memref_slice %arg4[%add3A_413, %dma_wait3A_651, %dma_wait3A_652] : memref<64x576x64xf32, #tpu.memory_space<hbm>> -> memref<1x96x64xf32, #tpu.memory_space<hbm>>
    %dma_wait3A_654 = tpu.memref_squeeze %dma_wait3A_653 : memref<1x96x64xf32, #tpu.memory_space<hbm>> -> memref<96x64xf32, #tpu.memory_space<hbm>>
    %dma_wait3A_655 = arith.constant 288 : i32
    %dma_wait3A_656 = arith.constant 0 : i32
    %dma_wait3A_657 = tpu.memref_slice %arg4[%add3A_413, %dma_wait3A_655, %dma_wait3A_656] : memref<64x576x64xf32, #tpu.memory_space<hbm>> -> memref<1x96x64xf32, #tpu.memory_space<hbm>>
    %dma_wait3A_658 = tpu.memref_squeeze %dma_wait3A_657 : memref<1x96x64xf32, #tpu.memory_space<hbm>> -> memref<96x64xf32, #tpu.memory_space<hbm>>
    %dma_wait3A_659 = arith.constant 0 : i32
    %dma_wait3A_660 = arith.constant 0 : i32
    %dma_wait3A_661 = tpu.memref_slice %arg6[%dma_wait3A_646, %dma_wait3A_659, %dma_wait3A_660] : memref<12x96x64xf32, #tpu.memory_space<vmem>> -> memref<1x96x64xf32, #tpu.memory_space<vmem>>
    %dma_wait3A_662 = tpu.memref_squeeze %dma_wait3A_661 : memref<1x96x64xf32, #tpu.memory_space<vmem>> -> memref<96x64xf32, #tpu.memory_space<vmem>>
    tpu.wait_dma2 semaphore(%arg8 : memref<!tpu.dma_semaphore, #tpu.memory_space<semaphore_mem>>) src(%dma_wait3A_662 : memref<96x64xf32, #tpu.memory_space<vmem>>) dst(%dma_wait3A_658 : memref<96x64xf32, #tpu.memory_space<hbm>>)
    %dma_wait3A_663 = arith.constant 10 : i32
    %dma_wait3A_664 = arith.constant 0 : i32
    %dma_wait3A_665 = arith.constant 0 : i32
    %dma_wait3A_666 = tpu.memref_slice %arg6[%dma_wait3A_663, %dma_wait3A_664, %dma_wait3A_665] : memref<12x96x64xf32, #tpu.memory_space<vmem>> -> memref<1x96x64xf32, #tpu.memory_space<vmem>>
    %dma_wait3A_667 = tpu.memref_squeeze %dma_wait3A_666 : memref<1x96x64xf32, #tpu.memory_space<vmem>> -> memref<96x64xf32, #tpu.memory_space<vmem>>
    %dma_wait3A_668 = arith.constant 384 : i32
    %dma_wait3A_669 = arith.constant 0 : i32
    %dma_wait3A_670 = tpu.memref_slice %arg4[%add3A_444, %dma_wait3A_668, %dma_wait3A_669] : memref<64x576x64xf32, #tpu.memory_space<hbm>> -> memref<1x96x64xf32, #tpu.memory_space<hbm>>
    %dma_wait3A_671 = tpu.memref_squeeze %dma_wait3A_670 : memref<1x96x64xf32, #tpu.memory_space<hbm>> -> memref<96x64xf32, #tpu.memory_space<hbm>>
    %dma_wait3A_672 = arith.constant 384 : i32
    %dma_wait3A_673 = arith.constant 0 : i32
    %dma_wait3A_674 = tpu.memref_slice %arg4[%add3A_444, %dma_wait3A_672, %dma_wait3A_673] : memref<64x576x64xf32, #tpu.memory_space<hbm>> -> memref<1x96x64xf32, #tpu.memory_space<hbm>>
    %dma_wait3A_675 = tpu.memref_squeeze %dma_wait3A_674 : memref<1x96x64xf32, #tpu.memory_space<hbm>> -> memref<96x64xf32, #tpu.memory_space<hbm>>
    %dma_wait3A_676 = arith.constant 0 : i32
    %dma_wait3A_677 = arith.constant 0 : i32
    %dma_wait3A_678 = tpu.memref_slice %arg6[%dma_wait3A_663, %dma_wait3A_676, %dma_wait3A_677] : memref<12x96x64xf32, #tpu.memory_space<vmem>> -> memref<1x96x64xf32, #tpu.memory_space<vmem>>
    %dma_wait3A_679 = tpu.memref_squeeze %dma_wait3A_678 : memref<1x96x64xf32, #tpu.memory_space<vmem>> -> memref<96x64xf32, #tpu.memory_space<vmem>>
    tpu.wait_dma2 semaphore(%arg8 : memref<!tpu.dma_semaphore, #tpu.memory_space<semaphore_mem>>) src(%dma_wait3A_679 : memref<96x64xf32, #tpu.memory_space<vmem>>) dst(%dma_wait3A_675 : memref<96x64xf32, #tpu.memory_space<hbm>>)
    %dma_wait3A_680 = arith.constant 11 : i32
    %dma_wait3A_681 = arith.constant 0 : i32
    %dma_wait3A_682 = arith.constant 0 : i32
    %dma_wait3A_683 = tpu.memref_slice %arg6[%dma_wait3A_680, %dma_wait3A_681, %dma_wait3A_682] : memref<12x96x64xf32, #tpu.memory_space<vmem>> -> memref<1x96x64xf32, #tpu.memory_space<vmem>>
    %dma_wait3A_684 = tpu.memref_squeeze %dma_wait3A_683 : memref<1x96x64xf32, #tpu.memory_space<vmem>> -> memref<96x64xf32, #tpu.memory_space<vmem>>
    %dma_wait3A_685 = arith.constant 480 : i32
    %dma_wait3A_686 = arith.constant 0 : i32
    %dma_wait3A_687 = tpu.memref_slice %arg4[%add3A_475, %dma_wait3A_685, %dma_wait3A_686] : memref<64x576x64xf32, #tpu.memory_space<hbm>> -> memref<1x96x64xf32, #tpu.memory_space<hbm>>
    %dma_wait3A_688 = tpu.memref_squeeze %dma_wait3A_687 : memref<1x96x64xf32, #tpu.memory_space<hbm>> -> memref<96x64xf32, #tpu.memory_space<hbm>>
    %dma_wait3A_689 = arith.constant 480 : i32
    %dma_wait3A_690 = arith.constant 0 : i32
    %dma_wait3A_691 = tpu.memref_slice %arg4[%add3A_475, %dma_wait3A_689, %dma_wait3A_690] : memref<64x576x64xf32, #tpu.memory_space<hbm>> -> memref<1x96x64xf32, #tpu.memory_space<hbm>>
    %dma_wait3A_692 = tpu.memref_squeeze %dma_wait3A_691 : memref<1x96x64xf32, #tpu.memory_space<hbm>> -> memref<96x64xf32, #tpu.memory_space<hbm>>
    %dma_wait3A_693 = arith.constant 0 : i32
    %dma_wait3A_694 = arith.constant 0 : i32
    %dma_wait3A_695 = tpu.memref_slice %arg6[%dma_wait3A_680, %dma_wait3A_693, %dma_wait3A_694] : memref<12x96x64xf32, #tpu.memory_space<vmem>> -> memref<1x96x64xf32, #tpu.memory_space<vmem>>
    %dma_wait3A_696 = tpu.memref_squeeze %dma_wait3A_695 : memref<1x96x64xf32, #tpu.memory_space<vmem>> -> memref<96x64xf32, #tpu.memory_space<vmem>>
    tpu.wait_dma2 semaphore(%arg8 : memref<!tpu.dma_semaphore, #tpu.memory_space<semaphore_mem>>) src(%dma_wait3A_696 : memref<96x64xf32, #tpu.memory_space<vmem>>) dst(%dma_wait3A_692 : memref<96x64xf32, #tpu.memory_space<hbm>>)
    return
  }
}

module attributes {stable_mosaic.version = 14 : i64} {
  func.func @_vq_body(%arg0: i32, %arg1: memref<8x576x64xf32, #tpu.memory_space<vmem>>, %arg2: memref<1024x64xf32, #tpu.memory_space<vmem>>, %arg3: memref<8x576xi32, #tpu.memory_space<vmem>>, %arg4: memref<36864xi32, #tpu.memory_space<any>>, %arg5: memref<1x1xf32, #tpu.memory_space<smem>>, %arg6: memref<4608xi32, #tpu.memory_space<vmem>>, %arg7: memref<!tpu.dma_semaphore, #tpu.memory_space<semaphore_mem>>) attributes {dimension_semantics = [#tpu.dimension_semantics<arbitrary>], iteration_bounds = array<i64: 8>, scalar_prefetch = 0 : i64, scratch_operands = 2 : i64, tpu.core_type = #tpu.core_type<tc>, window_params = [{transform_indices = @transform_0, window_bounds = array<i64: 8, 576, 64>}, {pipeline_mode = #tpu.pipeline_mode<synchronous>, transform_indices = @transform_1, window_bounds = array<i64: 1024, 64>}, {transform_indices = @transform_2, window_bounds = array<i64: 8, 576>}, {}, {transform_indices = @transform_4, window_bounds = array<i64: 1, 1>}]} {
    %get3A = arith.constant 0 : index
    %get3A_0 = arith.constant 0 : index
    %get3A_1 = arith.constant 0 : index
    %get3A_2 = vector.load %arg1[%get3A, %get3A_0, %get3A_1] : memref<8x576x64xf32, #tpu.memory_space<vmem>>, vector<8x576x64xf32>
    %reshape3A = vector.shape_cast %get3A_2 : vector<8x576x64xf32> to vector<4608x64xf32>
    %get3A_3 = arith.constant 0 : index
    %get3A_4 = arith.constant 0 : index
    %get3A_5 = vector.load %arg2[%get3A_3, %get3A_4] : memref<1024x64xf32, #tpu.memory_space<vmem>>, vector<1024x64xf32>
    %mul3A = arith.mulf %get3A_5, %get3A_5 : vector<1024x64xf32>
    %reduce_sum3A = arith.constant dense<0.000000e+00> : vector<1024xf32>
    %reduce_sum3A_6 = vector.multi_reduction <add>, %mul3A, %reduce_sum3A [1] : vector<1024x64xf32> to vector<1024xf32>
    %mul3A_7 = arith.mulf %reshape3A, %reshape3A : vector<4608x64xf32>
    %reduce_sum3A_8 = arith.constant dense<0.000000e+00> : vector<4608xf32>
    %reduce_sum3A_9 = vector.multi_reduction <add>, %mul3A_7, %reduce_sum3A_8 [1] : vector<4608x64xf32> to vector<4608xf32>
    %broadcast_in_dim3A = vector.shape_cast %reduce_sum3A_9 : vector<4608xf32> to vector<4608x1xf32>
    %mul3A_10 = arith.constant -2.000000e+00 : f32
    %mul3A_11 = vector.broadcast %mul3A_10 : f32 to vector<1024x64xf32>
    %mul3A_12 = arith.mulf %mul3A_11, %get3A_5 : vector<1024x64xf32>
    %dot_general3A = arith.constant dense<0.000000e+00> : vector<4608x1024xf32>
    %dot_general3A_13 = tpu.matmul %reshape3A, %mul3A_12, %dot_general3A {dimension_numbers = #tpu.dot_dimension_numbers<[1], [1], [0], [0], [0, 0, 1, 0], [], []>, transpose_lhs_hint = false} : vector<4608x64xf32>, vector<1024x64xf32>, vector<4608x1024xf32> -> vector<4608x1024xf32>
    %add3A = vector.broadcast %broadcast_in_dim3A : vector<4608x1xf32> to vector<4608x1024xf32>
    %add3A_14 = arith.addf %add3A, %dot_general3A_13 : vector<4608x1024xf32>
    %broadcast_in_dim3A_15 = vector.shape_cast %reduce_sum3A_6 : vector<1024xf32> to vector<1x1024xf32>
    %add3A_16 = vector.broadcast %broadcast_in_dim3A_15 : vector<1x1024xf32> to vector<4608x1024xf32>
    %add3A_17 = arith.addf %add3A_14, %add3A_16 : vector<4608x1024xf32>
    %reduce_min3A = arith.constant dense<0x7F800000> : vector<4608xf32>
    %reduce_min3A_18 = vector.multi_reduction <minimumf>, %add3A_17, %reduce_min3A [1] : vector<4608x1024xf32> to vector<4608xf32>
    %broadcast_in_dim3A_19 = vector.shape_cast %reduce_min3A_18 : vector<4608xf32> to vector<4608x1xf32>
    %iota3A = tpu.iota {dimensions = array<i32: 1>} : vector<4608x1024xi32>
    %eq3A = vector.broadcast %broadcast_in_dim3A_19 : vector<4608x1xf32> to vector<4608x1024xf32>
    %eq3A_20 = arith.cmpf oeq, %add3A_17, %eq3A : vector<4608x1024xf32>
    %jit3A = arith.constant 1024 : i32
    %broadcast_in_dim3A_21 = vector.broadcast %jit3A : i32 to vector<4608x1024xi32>
    %select_n3A = arith.select %eq3A_20, %iota3A, %broadcast_in_dim3A_21 : vector<4608x1024xi1>, vector<4608x1024xi32>
    %reduce_min3A_22 = arith.constant dense<2147483647> : vector<4608xi32>
    %reduce_min3A_23 = vector.multi_reduction <minsi>, %select_n3A, %reduce_min3A_22 [1] : vector<4608x1024xi32> to vector<4608xi32>
    %swap3A = arith.constant 0 : index
    %swap3A_24 = vector.load %arg6[%swap3A] : memref<4608xi32, #tpu.memory_space<vmem>>, vector<4608xi32>
    tpu.vector_store %arg6[%swap3A], %reduce_min3A_23 {strides = array<i32>} : memref<4608xi32, #tpu.memory_space<vmem>>, vector<4608xi32>,
    %reshape3A_25 = vector.shape_cast %reduce_min3A_23 : vector<4608xi32> to vector<8x576xi32>
    %swap3A_26 = arith.constant 0 : index
    %swap3A_27 = arith.constant 0 : index
    %swap3A_28 = vector.load %arg3[%swap3A_26, %swap3A_27] : memref<8x576xi32, #tpu.memory_space<vmem>>, vector<8x576xi32>
    tpu.vector_store %arg3[%swap3A_26, %swap3A_27], %reshape3A_25 {strides = array<i32>} : memref<8x576xi32, #tpu.memory_space<vmem>>, vector<8x576xi32>,
    %mul3A_29 = arith.constant 4608 : i32
    %mul3A_30 = arith.muli %arg0, %mul3A_29 : i32
    %dma_start3A = tpu.memref_slice %arg4[%mul3A_30] : memref<36864xi32, #tpu.memory_space<any>> -> memref<4608xi32, #tpu.memory_space<any>>
    tpu.enqueue_dma source(%arg6 : memref<4608xi32, #tpu.memory_space<vmem>>) target(%dma_start3A : memref<4608xi32, #tpu.memory_space<any>>) target_semaphore(%arg7 : memref<!tpu.dma_semaphore, #tpu.memory_space<semaphore_mem>>)
    %dma_wait3A = tpu.memref_slice %arg4[%mul3A_30] : memref<36864xi32, #tpu.memory_space<any>> -> memref<4608xi32, #tpu.memory_space<any>>
    tpu.wait_dma2 semaphore(%arg7 : memref<!tpu.dma_semaphore, #tpu.memory_space<semaphore_mem>>) src(%arg6 : memref<4608xi32, #tpu.memory_space<vmem>>) dst(%dma_wait3A : memref<4608xi32, #tpu.memory_space<any>>)
    %eq3A_31 = arith.constant 0 : i32
    %eq3A_32 = arith.cmpi eq, %arg0, %eq3A_31 : i32
    %convert_element_type3A = arith.extui %eq3A_32 : i1 to i32
    %cond3A = arith.constant 0 : i32
    %cond3A_33 = arith.cmpi ne, %convert_element_type3A, %cond3A : i32
    scf.if %cond3A_33 {
      %swap3A_46 = arith.constant 0.000000e+00 : f32
      %swap3A_47 = arith.constant 0 : index
      %swap3A_48 = arith.constant 0 : index
      %swap3A_49 = memref.load %arg5[%swap3A_47, %swap3A_48] : memref<1x1xf32, #tpu.memory_space<smem>>
      memref.store %swap3A_46, %arg5[%swap3A_47, %swap3A_48] : memref<1x1xf32, #tpu.memory_space<smem>>
    } else {
    }
    %get3A_34 = arith.constant 0 : index
    %get3A_35 = arith.constant 0 : index
    %get3A_36 = memref.load %arg5[%get3A_34, %get3A_35] : memref<1x1xf32, #tpu.memory_space<smem>>
    %reduce_sum3A_37 = vector.shape_cast %broadcast_in_dim3A_19 : vector<4608x1xf32> to vector<1x4608x1xf32>
    %reduce_sum3A_38 = arith.constant dense<0.000000e+00> : vector<1xf32>
    %reduce_sum3A_39 = vector.multi_reduction <add>, %reduce_sum3A_37, %reduce_sum3A_38 [1, 2] : vector<1x4608x1xf32> to vector<1xf32>
    %reduce_sum3A_40 = vector.shape_cast %reduce_sum3A_39 : vector<1xf32> to vector<1x1x1xf32>
    %reduce_sum3A_41 = vector.extract %reduce_sum3A_40[0, 0, 0] : f32 from vector<1x1x1xf32>
    %add3A_42 = arith.addf %get3A_36, %reduce_sum3A_41 : f32
    %swap3A_43 = arith.constant 0 : index
    %swap3A_44 = arith.constant 0 : index
    %swap3A_45 = memref.load %arg5[%swap3A_43, %swap3A_44] : memref<1x1xf32, #tpu.memory_space<smem>>
    memref.store %add3A_42, %arg5[%swap3A_43, %swap3A_44] : memref<1x1xf32, #tpu.memory_space<smem>>
    return
  }
  func.func @transform_0(%arg0: i32) -> (i32, i32, i32) {
    %c0_i32 = arith.constant 0 : i32
    %c0_i32_0 = arith.constant 0 : i32
    %c0_i32_1 = arith.constant 0 : i32
    return %arg0, %c0_i32, %c0_i32_0 : i32, i32, i32
  }
  func.func @transform_1(%arg0: i32) -> (i32, i32) {
    %c0_i32 = arith.constant 0 : i32
    %c0_i32_0 = arith.constant 0 : i32
    %c0_i32_1 = arith.constant 0 : i32
    return %c0_i32, %c0_i32_0 : i32, i32
  }
  func.func @transform_2(%arg0: i32) -> (i32, i32) {
    %c0_i32 = arith.constant 0 : i32
    %c0_i32_0 = arith.constant 0 : i32
    return %arg0, %c0_i32 : i32, i32
  }
  func.func @transform_4(%arg0: i32) -> (i32, i32) {
    %c0_i32 = arith.constant 0 : i32
    %c0_i32_0 = arith.constant 0 : i32
    %c0_i32_1 = arith.constant 0 : i32
    return %c0_i32, %c0_i32_0 : i32, i32
  }
}

</mosaic_0001>

<sc_bundles>
// kernel: kernel.4.cloned.1.call-start
scs
__scs_entry_jumppad:
0x0: {  	(pc) =	sbr.rel $0x88, $3  }
0x1: {  	(tag) =	ssettag $0x0;
	lr =	simm.s32 $0x1  }
0x2: {  	[smem:$0x3F9F] =	sst lr;
	_ =	strace $0xD0000000  }
0x3: {  	_ = 	snop  }
0x4: {  	_ = 	snop  }
0x5: {  	_ = 	snop  }
0x6: {  	_ = 	snop  }
0x7: {  	_ = 	snop  }
__scs_overlays_trampoline_lowered:
0x8: {  	[smem:$0x3FAE] =	sst s0  }
0x9: {  	[smem:$0x3FAF] =	sst s1  }
0xa: {  	[smem:$0x3FB0] =	sst s2  }
0xb: {  	[smem:$0x3FB1] =	sst s3  }
0xc: {  	[smem:$0x3FB2] =	sst s4  }
0xd: {  	[smem:$0x3FB3] =	sst s5  }
0xe: {  	[smem:$0x3FB4] =	sst s6  }
0xf: {  	[smem:$0x3FB5] =	sst s7  }
0x10: {  	[smem:$0x3FB6] =	sst s8  }
0x11: {  	[smem:$0x3FB7] =	sst s9;
	s0 =	simm.s32 @!p0 $0x0  }
0x12: {  	s1 =	sld [smem:$0x3F9D];
	s0 =	simm.s32 @p0 $0x1  }
0x13: {  	[smem:$0x3FB8] =	sst s0;
	s0 =	simm.s32 @!p1 $0x0  }
0x14: {  	s2 =	sld [smem:$0x3F9C];
	s0 =	simm.s32 @p1 $0x1  }
0x15: {  	[smem:$0x3FB9] =	sst s0;
	s0 =	simm.s32 @!p2 $0x0  }
0x16: {  	s3 =	sld [smem:$0x3FDB];
	s0 =	simm.s32 @p2 $0x1  }
0x17: {  	s4 =	simm.s32 $0x1BF5;
	[smem:$0x3FBB] =	sst s0  }
0x18: {  	s0 =	sld [smem:$0x3F9E];
	_ =	swait.ge [sflag:s4], $0x0  }
0x19: {  	s7 =	sld [smem:$0x3F9F]  }
0x1a: {  	s8 =	sadd.s32 $0xFFFFE003, lr  }
0x1b: {  	s9 =	sadd.s32 $0xFFFFFEF7, lr;
	s5 =	simm.s32 $0xFFFFFFFF;
	p2 =	slt.u32 s8, $0xFFFFF086  }
0x1c: {  	p1 =	slt.u32 s9, $0xF7A;
	s5 =	simm.s32 @!p2 $0x0  }
0x1d: {  	s5 =	simm.s32 @p1 $0x1;
	p0 =	seq.s32 s7, s2  }
0x1e: {  	s7 =	smul.u32 @!p0 $0xF7A, s2;
	p2 =	seq.s32 @!p0 s5, $0x0  }
0x1f: {  	s9 =	smul.u32 $0xF7A, s1;
	s8 =	simm.s32 @!p0 $0x1BF5;
	p2 =	por !p2, p0  }
0x20: {  	[sflag:s8] =	ssyncset.s32 @!p0 $0xFFFFF086;
	s6 =	sadd.s32 @!p0 s3, s7;
	s7 =	simm.s32 @!p0 $0x108  }
0x21: {  	s3 =	sadd.s32 s3, s9;
	s6 =	sadd.s32 @!p0 $0x88, s6;
	s7 =	simm.s32 @p2 $0x1082  }
0x22: {  	[simem:s7], [sflag:s8] =	dma.local @!p0 [hbm:s6], $0xF7A  }
0x23: {  	s9 =	sor.u32 $0xD0000000, s2;
	s6 =	simm.s32 $0x108;
	_ =	swait.ge @!p0 [sflag:s8], $0x0  }
0x24: {  	s3 =	sadd.s32 $0x88, s3;
	s6 =	simm.s32 @!p1 $0x1082;
	[sflag:s4] =	ssyncset.s32 $0xFFFFF086  }
0x25: {  	[simem:s6], [sflag:s4] =	dma.local [hbm:s3], $0xF7A  }
0x26: {  	[smem:$0x3F9F] =	sst s1;
	(tag) =	ssettag s2;
	_ =	strace s9  }
0x27: {  	s1 =	sld [smem:$0x3FAF]  }
0x28: {  	s2 =	sld [smem:$0x3FB0]  }
0x29: {  	s4 =	sld [smem:$0x3FB2]  }
0x2a: {  	p0 =	seq.s32 s5, $0x0;
	s5 =	sld [smem:$0x3FB3]  }
0x2b: {  	s6 =	sld [smem:$0x3FB4]  }
0x2c: {  	s7 =	sld [smem:$0x3FB5]  }
0x2d: {  	s3 =	simm.s32 $0x108;
	s8 =	sld [smem:$0x3FB6]  }
0x2e: {  	s3 =	simm.s32 @!p0 $0x1082;
	s9 =	sld [smem:$0x3FB7]  }
0x2f: {  	lr =	sadd.s32 s0, s3;
	s0 =	sld [smem:$0x3FAE]  }
0x30: {  	s3 =	sld [smem:$0x3FB1]  }
0x31: {  	[smem:$0x3FBA] =	sst s10  }
0x32: {  	s10 =	sld [smem:$0x3FB8];
	_ =	sdelay $0x3  }
0x33: {  	p0 =	seq.s32 s10, $0x1;
	s10 =	sld [smem:$0x3FBA];
	_ =	sdelay $0x3  }
0x34: {  	[smem:$0x3FBA] =	sst s10  }
0x35: {  	s10 =	sld [smem:$0x3FB9];
	_ =	sdelay $0x3  }
0x36: {  	p1 =	seq.s32 s10, $0x1;
	s10 =	sld [smem:$0x3FBA];
	_ =	sdelay $0x3  }
0x37: {  	[smem:$0x3FBA] =	sst s10  }
0x38: {  	s10 =	sld [smem:$0x3FBB]  }
0x39: {  	_ = 	snop;
	(pc) =	sbr.ind lr, $3  }
0x3a: {  	_ = 	snop  }
0x3b: {  	_ = 	snop  }
0x3c: {  	p2 =	seq.s32 s10, $0x1;
	s10 =	sld [smem:$0x3FBA]  }
0x3d: {  	_ =	shalt  }
0x3e: {  	_ =	shalt  }
0x3f: {  	_ =	shalt  }
0x40: {  	_ =	shalt  }
0x41: {  	_ =	shalt  }
0x42: {  	_ =	shalt  }
0x43: {  	_ =	shalt  }
0x44: {  	_ =	shalt  }
0x45: {  	_ =	shalt  }
0x46: {  	_ =	shalt  }
0x47: {  	_ =	shalt  }
0x48: {  	_ =	shalt  }
0x49: {  	_ =	shalt  }
0x4a: {  	_ =	shalt  }
0x4b: {  	_ =	shalt  }
0x4c: {  	_ =	shalt  }
0x4d: {  	_ =	shalt  }
0x4e: {  	_ =	shalt  }
0x4f: {  	_ =	shalt  }
0x50: {  	_ =	shalt  }
0x51: {  	_ =	shalt  }
0x52: {  	_ =	shalt  }
0x53: {  	_ =	shalt  }
0x54: {  	_ =	shalt  }
0x55: {  	_ =	shalt  }
0x56: {  	_ =	shalt  }
0x57: {  	_ =	shalt  }
0x58: {  	_ =	shalt  }
0x59: {  	_ =	shalt  }
0x5a: {  	_ =	shalt  }
0x5b: {  	_ =	shalt  }
0x5c: {  	_ =	shalt  }
0x5d: {  	_ =	shalt  }
0x5e: {  	_ =	shalt  }
0x5f: {  	_ =	shalt  }
0x60: {  	_ =	shalt  }
0x61: {  	_ =	shalt  }
0x62: {  	_ =	shalt  }
0x63: {  	_ =	shalt  }
0x64: {  	_ =	shalt  }
0x65: {  	_ =	shalt  }
0x66: {  	_ =	shalt  }
0x67: {  	_ =	shalt  }
0x68: {  	_ =	shalt  }
0x69: {  	_ =	shalt  }
0x6a: {  	_ =	shalt  }
0x6b: {  	_ =	shalt  }
0x6c: {  	_ =	shalt  }
0x6d: {  	_ =	shalt  }
0x6e: {  	_ =	shalt  }
0x6f: {  	_ =	shalt  }
0x70: {  	_ =	shalt  }
0x71: {  	_ =	shalt  }
0x72: {  	_ =	shalt  }
0x73: {  	_ =	shalt  }
0x74: {  	_ =	shalt  }
0x75: {  	_ =	shalt  }
0x76: {  	_ =	shalt  }
0x77: {  	_ =	shalt  }
0x78: {  	_ =	shalt  }
0x79: {  	_ =	shalt  }
0x7a: {  	_ =	shalt  }
0x7b: {  	_ =	shalt  }
0x7c: {  	_ =	shalt  }
0x7d: {  	_ =	shalt  }
0x7e: {  	_ =	shalt  }
0x7f: {  	_ =	shalt  }
0x80: {  	_ =	shalt  }
0x81: {  	_ =	shalt  }
0x82: {  	_ =	shalt  }
0x83: {  	_ =	shalt  }
0x84: {  	_ =	shalt  }
0x85: {  	_ =	shalt  }
0x86: {  	_ =	shalt  }
0x87: {  	_ =	shalt  }
.Lfunc_end0:
.L_simem_size_0:
called_computation_lowered:
.L_overlay_start_0:
0x88: {  	s2 =	sld [smem:$0x3FD9]  }
0x89: {  	s3 =	sld [smem:$0x3FFE];
	_ =	sdelay $0x1  }
0x8a: {  	s1 =	srdreg.scid  }
0x8b: {  	s0 =	sand.u32 $0x1, s1  }
0x8c: {  	s14 =	sshll.u32 s0, $0xA;
	s2 =	sadd.s32 s3, s2  }
0x8d: {  	s2 =	sadd.s32 s2, s14  }
0x8e: {  	[smem:$0x3FC6] =	sst s2  }
0x8f: {  	_ = 	snop  }
0x90: {  	s2 =	sld [smem:$0x3FD0];
	_ =	sdelay $0x2  }
0x91: {  	s15 =	simm.s32 $0xA;
	s4 =	simm.s32 $0x10  }
0x92: {  	[smem:s4], [sflag:s15] =	dma.local [hbm:s2], $0x1  }
0x93: {  	_ =	swait.eq [sflag:s15], $0x1  }
0x94: {  	[sflag:s15] =	ssyncset.done $0x0  }
0x95: {  	[sflag:s15] =	ssyncadd.s32 $0xFFFFFFFF  }
0x96: {  	s16 =	sld [smem:$0x10];
	(tm) =	ssettm $0x1  }
0x97: {  	s17 =	sld [smem:$0x3FFB];
	_ =	sdelay $0x3  }
0x98: {  	_ =	strace s17  }
0x99: {  	s3 =	sld [smem:$0x3FFC];
	_ =	sdelay $0x3  }
0x9a: {  	_ =	strace s3  }
0x9b: {  	s3 =	sld [smem:$0x3FFD];
	_ =	sdelay $0x3  }
0x9c: {  	_ =	strace s3  }
0x9d: {  	_ =	strace $0x8FFFFFFF  }
0x9e: {  	s18 =	sld [smem:$0x3FDB];
	_ =	sdelay $0x1  }
0x9f: {  	s19 =	simm.s32 $_scs_section_size  }
0xa0: {  	s5 =	simm.s32 $_size__tile_overlayer_lowered;
	s6 =	simm.s32 $_tile_overlayer_lowered  }
0xa1: {  	s22 =	simm.s32 $0x1BFF;
	s21 =	sshll.u32 s6, $0x1;
	s3 =	sadd.s32 s19, s18  }
0xa2: {  	s7 =	simm.s32 $0x0;
	s20 =	sshll.u32 s5, $0x1;
	s5 =	sadd.s32 s21, s3  }
0xa3: {  	[timem:s7], [sflag:s22] =	dma.local [hbm:s5], s20  }
0xa4: {  	_ =	swait.ge [sflag:s22], s20  }
0xa5: {  	s4 =	ssub.s32 $0x0, s20;
	[sflag:s22] =	ssyncset.done $0x0  }
0xa6: {  	[sflag:s22] =	ssyncadd.s32 s4;
	_ =	sdelay $0x1  }
0xa7: {  	s23 =	simm.s32 $0x1B8B  }
0xa8: {  	_ =	swait.ge [sflag:s23], $0x1  }
0xa9: {  	[sflag:s23] =	ssyncset.done $0x0  }
0xaa: {  	s25 =	simm.s32 $0x1B8E;
	s24 =	sld [smem:$0x3FFE];
	[sflag:s23] =	ssyncadd.s32 $0xFFFFFFFF  }
0xab: {  	s26 =	simm.s32 $execute0_lowered;
	[smem:$0x3FD2] =	sst s25  }
0xac: {  	s5 =	sshll.u32 s26, $0x1;
	_ =	strace $0x80000046;
	[dreg:$0x1] =	wrdreg $0xFFFFFFFF  }
0xad: {  	s28 =	simm.s32 $_size_execute0_lowered;
	s3 =	sadd.s32 s3, s5;
	[dreg:$0x0] =	wrdreg $0x0  }
0xae: {  	s5 =	sshll.u32 s28, $0x1;
	[dreg:$0x2] =	wrdreg s3  }
0xaf: {  	[dreg:$0x3] =	wrdreg s5  }
0xb0: {  	[dreg:$0x4] =	wrdreg $0xC0  }
0xb1: {  	_ =	task [dreg:s7], $0x5FFFF  }
0xb2: {  	[dreg:$0x1] =	wrdreg $0xFFFFFFFF  }
0xb3: {  	[dreg:$0x0] =	wrdreg $0x60  }
0xb4: {  	[dreg:$0x2] =	wrdreg s24  }
0xb5: {  	[dreg:$0x3] =	wrdreg s16  }
0xb6: {  	[dreg:$0x4] =	wrdreg $0x9  }
0xb7: {  	_ =	task.clear_ibuf [dreg:s7], $0x5FFFF;
	_ =	strace $0x90000046  }
0xb8: {  	s29 =	simm.s32 $0x9;
	_ =	strace $0x80000048  }
0xb9: {  	_ =	swait.ge [sflag:s29], $0x1  }
0xba: {  	[sflag:s29] =	ssyncadd.s32 $0xFFFFFFFF  }
0xbb: {  	_ =	strace $0x90000048  }
0xbc: {  	_ =	sfence  }
0xbd: {  	s30 =	sld [smem:$0x0];
	_ =	sdelay $0x2  }
0xbe: {  	s31 =	sshll.u32 s1, $0xD;
	s1 =	sshrl.u32 s1, $0x2  }
0xbf: {  	s3 =	sand.u32 $0x4000, s31;
	s1 =	sadd.s32 s1, s30  }
0xc0: {  	s0 =	sor.u32 s3, s0;
	s1 =	sshll.u32 s1, $0x11  }
0xc1: {  	s0 =	sor.u32 s1, s0  }
0xc2: {  	s0 =	sadd.s32 $0x8F2B, s0  }
0xc3: {  	[sflag:s0] =	ssyncadd.remote.s32 $0x1  }
0xc4: {  	_ =	sfence.sel $0xFFFF  }
0xc5: {  	[dreg:$0x0] =	wrdreg $0xFFFFFFFF;
	(pc) =	sbr.abs _section_cstart, $3  }
0xc6: {  	[dreg:$0x1] =	wrdreg $0xFFFFFFFF  }
0xc7: {  	_ =	task.clear_ibuf [dreg:s7], $0x2FFFF;
	_ =	strace $0x9FFFFFFF  }
0xc8: {  	(tm) =	ssettm $0x7FFFFFFF  }
0xc9: {  	_ =	shalt  }
tec
execute0_lowered:
.L_overlay_start_1:
0x0: {  	(tag) =	ssettag $0x1  }
0x1: {  	s0 =	srdreg.scid  }
0x2: {  	s1 =	stileid.u32;
	s3 =	rddreg [dreg:$0x0]  }
0x3: {  	s5 =	rddreg [dreg:$0x1];
	s2 =	simm.s32 $0x0;
	s15 =	simm.s32 $0x3480  }
0x4: {  	s14 =	simm.s32 $0x4C80;
	s0 =	sand.u32 $0x1, s0;
	s1 =	sshll.u32 s1, $0x1  }
0x5: {  	s13 =	simm.s32 $0x6480;
	s12 =	simm.s32 $0x7C80;
	s1 =	sor.u32 s0, s1  }
0x6: {  	s11 =	simm.s32 $0x9480;
	s10 =	simm.s32 $0xAC80;
	s4 =	smul.u32 $0x90, s1  }
0x7: {  	s28 =	simm.s32 $0x300;
	s9 =	simm.s32 $0xC480;
	s1 =	smul.u32 $0x12000, s1  }
0x8: {  	s29 =	simm.s32 $0x360;
	s7 =	simm.s32 $0xDC80;
	p0 =	por $0x0, $0x0  }
0x9: {  	s30 =	simm.s32 $0x3C0;
	s4 =	sadd.s32 s4, s3;
	s1 =	sshrl.u32 s1, $0x3  }
0xa: {  	[smem:$0x7FF] =	sst s2;
	s6 =	sadd.s32 $0x2800, s4;
	s4 =	sadd.s32 s5, s1  }
0xb: {  	_ =	strace $0x80000047;
	[dreg:$0x3] =	wrdreg s6;
	s1 =	sadd.s32 $0x300, s4  }
0xc: {  	s8 =	simm.s32 $0xF480;
	s16 =	sadd.s32 $0x600, s4;
	[dreg:$0x4] =	wrdreg s1  }
0xd: {  	s31 =	simm.s32 $0x420;
	s17 =	sadd.s32 $0x900, s4;
	[dreg:$0x5] =	wrdreg s16  }
0xe: {  	s0 =	ssub.s32 $0x2, s0;
	s18 =	sadd.s32 $0xC00, s4;
	[dreg:$0x6] =	wrdreg s17  }
0xf: {  	s24 =	sshrl.u32 s0, $0x1;
	s19 =	sadd.s32 $0xF00, s4;
	[dreg:$0x7] =	wrdreg s18  }
0x10: {  	s0 =	ssub.s32 s0, s24;
	s20 =	sadd.s32 $0x1200, s4;
	[dreg:$0x8] =	wrdreg s19  }
0x11: {  	s24 =	simm.s32 $0x1E0;
	s21 =	sadd.s32 $0x1500, s4;
	[dreg:$0x9] =	wrdreg s20  }
0x12: {  	s0 =	smax.u32 s0, $0x1;
	s22 =	sadd.s32 $0x1800, s4;
	[dreg:$0xa] =	wrdreg s21  }
0x13: {  	p1 =	sne.s32 s0, $0x1;
	s23 =	sadd.s32 $0x1B00, s4;
	[dreg:$0xb] =	wrdreg s22  }
0x14: {  	s5 =	simm.s32 $0x10C80;
	s25 =	sadd.s32 $0x1E00, s4;
	[dreg:$0xc] =	wrdreg s23  }
0x15: {  	s26 =	sadd.s32 $0x2100, s4;
	s6 =	simm.s32 $0x1;
	[dreg:$0xd] =	wrdreg s25  }
.Ltmp0:
0x16: {  	s17 =	sadd.s32 $0x800, s3;
	[dreg:$0xe] =	wrdreg s26;
	(pc) =	sbr.rel @!p1 .LBB2_3-.Ltmp0, $4  }
0x17: {  	s20 =	simm.s32 $0x3;
	s19 =	simm.s32 $0x60;
	s18 =	simm.s32 $0x480  }
0x18: {  	s16 =	simm.s32 $0x1C80;
	s21 =	simm.s32 $0xC0;
	s22 =	simm.s32 $0x120  }
0x19: {  	s23 =	simm.s32 $0x180;
	s25 =	simm.s32 $0x240;
	s26 =	simm.s32 $0x2A0  }
0x1a: {  	s1 =	sadd.s32 $0xFFFFFFFF, s0;
	s3 =	simm.s32 $0x2;
	s0 =	rddreg [dreg:$0x3]  }
0x1b: {  	[tilespmem:s2], [sflag:$0x3] =	stream.linear.gather [hbm4b:s0+s2], $0x480, $0x38;
	[tilespmem:$0x12480] =	vst v63  }
0x1c: {  	_ =	swait.ge [sflag:s20], $0x480  }
0x1d: {  	[sflag:s20] =	ssyncset.done $0x0  }
0x1e: {  	[sflag:s20] =	ssyncadd.s32 $0xFFFFFB80  }
0x1f: {  	[tilespmem:s18], [sflag:$0x1] =	stream.indirect.gather [hbm4b:s17+s19], $0x40, s2, s19, $0xb8;
	[tilespmem:$0x12480] =	vst v63  }
0x20: {  	_ = 	snop  }
0x21: {  	[tilespmem:s16], [sflag:$0x1] =	stream.indirect.gather [hbm4b:s17+s19], $0x40, s19, s19, $0xb8;
	[tilespmem:$0x12480] =	vst v63  }
0x22: {  	_ = 	snop  }
0x23: {  	[tilespmem:s15], [sflag:$0x1] =	stream.indirect.gather [hbm4b:s17+s19], $0x40, s21, s19, $0xb8;
	[tilespmem:$0x12480] =	vst v63  }
0x24: {  	_ = 	snop  }
0x25: {  	[tilespmem:s14], [sflag:$0x1] =	stream.indirect.gather [hbm4b:s17+s19], $0x40, s22, s19, $0xb8;
	[tilespmem:$0x12480] =	vst v63  }
0x26: {  	_ = 	snop  }
0x27: {  	[tilespmem:s13], [sflag:$0x1] =	stream.indirect.gather [hbm4b:s17+s19], $0x40, s23, s19, $0xb8;
	[tilespmem:$0x12480] =	vst v63  }
0x28: {  	_ = 	snop  }
0x29: {  	[tilespmem:s12], [sflag:$0x1] =	stream.indirect.gather [hbm4b:s17+s19], $0x40, s24, s19, $0xb8;
	[tilespmem:$0x12480] =	vst v63  }
0x2a: {  	_ = 	snop  }
0x2b: {  	[tilespmem:s11], [sflag:$0x1] =	stream.indirect.gather [hbm4b:s17+s19], $0x40, s25, s19, $0xb8;
	[tilespmem:$0x12480] =	vst v63  }
0x2c: {  	_ = 	snop  }
0x2d: {  	[tilespmem:s10], [sflag:$0x1] =	stream.indirect.gather [hbm4b:s17+s19], $0x40, s26, s19, $0xb8;
	[tilespmem:$0x12480] =	vst v63  }
0x2e: {  	_ = 	snop  }
0x2f: {  	[tilespmem:s9], [sflag:$0x1] =	stream.indirect.gather [hbm4b:s17+s19], $0x40, s28, s19, $0xb8;
	[tilespmem:$0x12480] =	vst v63  }
0x30: {  	_ = 	snop  }
0x31: {  	[tilespmem:s7], [sflag:$0x1] =	stream.indirect.gather [hbm4b:s17+s19], $0x40, s29, s19, $0xb8;
	[tilespmem:$0x12480] =	vst v63  }
0x32: {  	_ = 	snop  }
0x33: {  	[tilespmem:s8], [sflag:$0x1] =	stream.indirect.gather [hbm4b:s17+s19], $0x40, s30, s19, $0xb8;
	[tilespmem:$0x12480] =	vst v63  }
0x34: {  	_ = 	snop  }
0x35: {  	[tilespmem:s5], [sflag:$0x1] =	stream.indirect.gather [hbm4b:s17+s19], $0x40, s31, s19, $0xb8;
	[tilespmem:$0x12480] =	vst v63  }
0x36: {  	_ =	swait.ge [sflag:s6], $0x1800  }
0x37: {  	[sflag:s6] =	ssyncset.done $0x0  }
0x38: {  	[sflag:s6] =	ssyncadd.s32 $0xFFFFE800  }
0x39: {  	[hbm4b:s4+s2] =	stream.linear.scatter [tilespmem:s18], [sflag:$0x2], $0x1800, $0x38;
	[tilespmem:$0x12480] =	vst v63  }
0x3a: {  	_ =	swait.ge [sflag:s6], $0x1800  }
0x3b: {  	[sflag:s6] =	ssyncset.done $0x0  }
0x3c: {  	s0 =	rddreg [dreg:$0x4];
	[sflag:s6] =	ssyncadd.s32 $0xFFFFE800  }
0x3d: {  	[hbm4b:s0+s2] =	stream.linear.scatter [tilespmem:s16], [sflag:$0x2], $0x1800, $0x38;
	[tilespmem:$0x12480] =	vst v63  }
0x3e: {  	_ =	swait.ge [sflag:s6], $0x1800  }
0x3f: {  	[sflag:s6] =	ssyncset.done $0x0  }
0x40: {  	s0 =	rddreg [dreg:$0x5];
	[sflag:s6] =	ssyncadd.s32 $0xFFFFE800  }
0x41: {  	[hbm4b:s0+s2] =	stream.linear.scatter [tilespmem:s15], [sflag:$0x2], $0x1800, $0x38;
	[tilespmem:$0x12480] =	vst v63  }
0x42: {  	_ =	swait.ge [sflag:s6], $0x1800  }
0x43: {  	[sflag:s6] =	ssyncset.done $0x0  }
0x44: {  	s0 =	rddreg [dreg:$0x6];
	[sflag:s6] =	ssyncadd.s32 $0xFFFFE800  }
0x45: {  	[hbm4b:s0+s2] =	stream.linear.scatter [tilespmem:s14], [sflag:$0x2], $0x1800, $0x38;
	[tilespmem:$0x12480] =	vst v63  }
0x46: {  	_ =	swait.ge [sflag:s6], $0x1800  }
0x47: {  	[sflag:s6] =	ssyncset.done $0x0  }
0x48: {  	s0 =	rddreg [dreg:$0x7];
	[sflag:s6] =	ssyncadd.s32 $0xFFFFE800  }
0x49: {  	[hbm4b:s0+s2] =	stream.linear.scatter [tilespmem:s13], [sflag:$0x2], $0x1800, $0x38;
	[tilespmem:$0x12480] =	vst v63  }
0x4a: {  	_ =	swait.ge [sflag:s6], $0x1800  }
0x4b: {  	[sflag:s6] =	ssyncset.done $0x0  }
0x4c: {  	s0 =	rddreg [dreg:$0x8];
	[sflag:s6] =	ssyncadd.s32 $0xFFFFE800  }
0x4d: {  	[hbm4b:s0+s2] =	stream.linear.scatter [tilespmem:s12], [sflag:$0x2], $0x1800, $0x38;
	[tilespmem:$0x12480] =	vst v63  }
0x4e: {  	_ =	swait.ge [sflag:s6], $0x1800  }
0x4f: {  	[sflag:s6] =	ssyncset.done $0x0  }
0x50: {  	s0 =	rddreg [dreg:$0x9];
	[sflag:s6] =	ssyncadd.s32 $0xFFFFE800  }
0x51: {  	[hbm4b:s0+s2] =	stream.linear.scatter [tilespmem:s11], [sflag:$0x2], $0x1800, $0x38;
	[tilespmem:$0x12480] =	vst v63  }
0x52: {  	_ =	swait.ge [sflag:s6], $0x1800  }
0x53: {  	[sflag:s6] =	ssyncset.done $0x0  }
0x54: {  	s0 =	rddreg [dreg:$0xa];
	[sflag:s6] =	ssyncadd.s32 $0xFFFFE800  }
0x55: {  	[hbm4b:s0+s2] =	stream.linear.scatter [tilespmem:s10], [sflag:$0x2], $0x1800, $0x38;
	[tilespmem:$0x12480] =	vst v63  }
0x56: {  	_ =	swait.ge [sflag:s6], $0x1800  }
0x57: {  	[sflag:s6] =	ssyncset.done $0x0  }
0x58: {  	s0 =	rddreg [dreg:$0xb];
	[sflag:s6] =	ssyncadd.s32 $0xFFFFE800  }
0x59: {  	[hbm4b:s0+s2] =	stream.linear.scatter [tilespmem:s9], [sflag:$0x2], $0x1800, $0x38;
	[tilespmem:$0x12480] =	vst v63  }
0x5a: {  	_ =	swait.ge [sflag:s6], $0x1800  }
0x5b: {  	[sflag:s6] =	ssyncset.done $0x0  }
0x5c: {  	s0 =	rddreg [dreg:$0xc];
	[sflag:s6] =	ssyncadd.s32 $0xFFFFE800  }
0x5d: {  	[hbm4b:s0+s2] =	stream.linear.scatter [tilespmem:s7], [sflag:$0x2], $0x1800, $0x38;
	[tilespmem:$0x12480] =	vst v63  }
0x5e: {  	_ =	swait.ge [sflag:s6], $0x1800  }
0x5f: {  	[sflag:s6] =	ssyncset.done $0x0  }
0x60: {  	s0 =	rddreg [dreg:$0xd];
	[sflag:s6] =	ssyncadd.s32 $0xFFFFE800  }
0x61: {  	[hbm4b:s0+s2] =	stream.linear.scatter [tilespmem:s8], [sflag:$0x2], $0x1800, $0x38;
	[tilespmem:$0x12480] =	vst v63  }
0x62: {  	_ =	swait.ge [sflag:s6], $0x1800  }
0x63: {  	[sflag:s6] =	ssyncset.done $0x0  }
0x64: {  	s0 =	rddreg [dreg:$0xe];
	[sflag:s6] =	ssyncadd.s32 $0xFFFFE800  }
0x65: {  	[hbm4b:s0+s2] =	stream.linear.scatter [tilespmem:s5], [sflag:$0x2], $0x1800, $0x38;
	[tilespmem:$0x12480] =	vst v63  }
0x66: {  	_ =	swait.ge [sflag:s3], $0x1800  }
0x67: {  	[sflag:s3] =	ssyncset.done $0x0  }
0x68: {  	[sflag:s3] =	ssyncadd.s32 $0xFFFFE800  }
0x69: {  	_ =	swait.ge [sflag:s3], $0x1800  }
0x6a: {  	[sflag:s3] =	ssyncset.done $0x0  }
0x6b: {  	[sflag:s3] =	ssyncadd.s32 $0xFFFFE800  }
0x6c: {  	_ =	swait.ge [sflag:s3], $0x1800  }
0x6d: {  	[sflag:s3] =	ssyncset.done $0x0  }
0x6e: {  	[sflag:s3] =	ssyncadd.s32 $0xFFFFE800  }
0x6f: {  	_ =	swait.ge [sflag:s3], $0x1800  }
0x70: {  	[sflag:s3] =	ssyncset.done $0x0  }
0x71: {  	[sflag:s3] =	ssyncadd.s32 $0xFFFFE800  }
0x72: {  	_ =	swait.ge [sflag:s3], $0x1800  }
0x73: {  	[sflag:s3] =	ssyncset.done $0x0  }
0x74: {  	[sflag:s3] =	ssyncadd.s32 $0xFFFFE800  }
0x75: {  	_ =	swait.ge [sflag:s3], $0x1800  }
0x76: {  	[sflag:s3] =	ssyncset.done $0x0  }
0x77: {  	[sflag:s3] =	ssyncadd.s32 $0xFFFFE800  }
0x78: {  	_ =	swait.ge [sflag:s3], $0x1800  }
0x79: {  	[sflag:s3] =	ssyncset.done $0x0  }
0x7a: {  	[sflag:s3] =	ssyncadd.s32 $0xFFFFE800  }
0x7b: {  	_ =	swait.ge [sflag:s3], $0x1800  }
0x7c: {  	[sflag:s3] =	ssyncset.done $0x0  }
0x7d: {  	[sflag:s3] =	ssyncadd.s32 $0xFFFFE800  }
0x7e: {  	_ =	swait.ge [sflag:s3], $0x1800  }
0x7f: {  	[sflag:s3] =	ssyncset.done $0x0  }
0x80: {  	[sflag:s3] =	ssyncadd.s32 $0xFFFFE800  }
0x81: {  	_ =	swait.ge [sflag:s3], $0x1800  }
0x82: {  	[sflag:s3] =	ssyncset.done $0x0  }
0x83: {  	p1 =	sne.s32 s1, $0x1;
	[sflag:s3] =	ssyncadd.s32 $0xFFFFE800  }
.Ltmp1:
0x84: {  	_ =	swait.ge [sflag:s3], $0x1800;
	(pc) =	sbr.rel @!p1 .LBB2_3-.Ltmp1, $4  }
0x85: {  	[sflag:s3] =	ssyncset.done $0x0  }
0x86: {  	[sflag:s3] =	ssyncadd.s32 $0xFFFFE800  }
0x87: {  	s1 =	sadd.s32 $0xFFFFFFFF, s1;
	_ =	swait.ge [sflag:s3], $0x1800  }
0x88: {  	p0 =	por $0x1, $0x1;
	s0 =	rddreg [dreg:$0x3];
	[sflag:s3] =	ssyncset.done $0x0  }
.LBB2_2:
0x89: {  	[sflag:s3] =	ssyncadd.s32 $0xFFFFE800  }
0x8a: {  	[tilespmem:s2], [sflag:$0x3] =	stream.linear.gather [hbm4b:s0+s2], $0x480, $0x38;
	[tilespmem:$0x12480] =	vst v63  }
0x8b: {  	_ =	swait.ge [sflag:s20], $0x480  }
0x8c: {  	[sflag:s20] =	ssyncset.done $0x0  }
0x8d: {  	[sflag:s20] =	ssyncadd.s32 $0xFFFFFB80  }
0x8e: {  	[tilespmem:s18], [sflag:$0x1] =	stream.indirect.gather [hbm4b:s17+s19], $0x40, s2, s19, $0xb8;
	[tilespmem:$0x12480] =	vst v63  }
0x8f: {  	_ = 	snop  }
0x90: {  	[tilespmem:s16], [sflag:$0x1] =	stream.indirect.gather [hbm4b:s17+s19], $0x40, s19, s19, $0xb8;
	[tilespmem:$0x12480] =	vst v63  }
0x91: {  	_ = 	snop  }
0x92: {  	[tilespmem:s15], [sflag:$0x1] =	stream.indirect.gather [hbm4b:s17+s19], $0x40, s21, s19, $0xb8;
	[tilespmem:$0x12480] =	vst v63  }
0x93: {  	_ = 	snop  }
0x94: {  	[tilespmem:s14], [sflag:$0x1] =	stream.indirect.gather [hbm4b:s17+s19], $0x40, s22, s19, $0xb8;
	[tilespmem:$0x12480] =	vst v63  }
0x95: {  	_ = 	snop  }
0x96: {  	[tilespmem:s13], [sflag:$0x1] =	stream.indirect.gather [hbm4b:s17+s19], $0x40, s23, s19, $0xb8;
	[tilespmem:$0x12480] =	vst v63  }
0x97: {  	_ = 	snop  }
0x98: {  	[tilespmem:s12], [sflag:$0x1] =	stream.indirect.gather [hbm4b:s17+s19], $0x40, s24, s19, $0xb8;
	[tilespmem:$0x12480] =	vst v63  }
0x99: {  	_ = 	snop  }
0x9a: {  	[tilespmem:s11], [sflag:$0x1] =	stream.indirect.gather [hbm4b:s17+s19], $0x40, s25, s19, $0xb8;
	[tilespmem:$0x12480] =	vst v63  }
0x9b: {  	_ = 	snop  }
0x9c: {  	[tilespmem:s10], [sflag:$0x1] =	stream.indirect.gather [hbm4b:s17+s19], $0x40, s26, s19, $0xb8;
	[tilespmem:$0x12480] =	vst v63  }
0x9d: {  	_ = 	snop  }
0x9e: {  	[tilespmem:s9], [sflag:$0x1] =	stream.indirect.gather [hbm4b:s17+s19], $0x40, s28, s19, $0xb8;
	[tilespmem:$0x12480] =	vst v63  }
0x9f: {  	_ = 	snop  }
0xa0: {  	[tilespmem:s7], [sflag:$0x1] =	stream.indirect.gather [hbm4b:s17+s19], $0x40, s29, s19, $0xb8;
	[tilespmem:$0x12480] =	vst v63  }
0xa1: {  	_ = 	snop  }
0xa2: {  	[tilespmem:s8], [sflag:$0x1] =	stream.indirect.gather [hbm4b:s17+s19], $0x40, s30, s19, $0xb8;
	[tilespmem:$0x12480] =	vst v63  }
0xa3: {  	_ = 	snop  }
0xa4: {  	[tilespmem:s5], [sflag:$0x1] =	stream.indirect.gather [hbm4b:s17+s19], $0x40, s31, s19, $0xb8;
	[tilespmem:$0x12480] =	vst v63  }
0xa5: {  	_ =	swait.ge [sflag:s6], $0x1800  }
0xa6: {  	[sflag:s6] =	ssyncset.done $0x0  }
0xa7: {  	[sflag:s6] =	ssyncadd.s32 $0xFFFFE800  }
0xa8: {  	[hbm4b:s4+s2] =	stream.linear.scatter [tilespmem:s18], [sflag:$0x2], $0x1800, $0x38;
	[tilespmem:$0x12480] =	vst v63  }
0xa9: {  	_ =	swait.ge [sflag:s6], $0x1800  }
0xaa: {  	[sflag:s6] =	ssyncset.done $0x0  }
0xab: {  	s0 =	rddreg [dreg:$0x4];
	[sflag:s6] =	ssyncadd.s32 $0xFFFFE800  }
0xac: {  	[hbm4b:s0+s2] =	stream.linear.scatter [tilespmem:s16], [sflag:$0x2], $0x1800, $0x38;
	[tilespmem:$0x12480] =	vst v63  }
0xad: {  	_ =	swait.ge [sflag:s6], $0x1800  }
0xae: {  	[sflag:s6] =	ssyncset.done $0x0  }
0xaf: {  	s0 =	rddreg [dreg:$0x5];
	[sflag:s6] =	ssyncadd.s32 $0xFFFFE800  }
0xb0: {  	[hbm4b:s0+s2] =	stream.linear.scatter [tilespmem:s15], [sflag:$0x2], $0x1800, $0x38;
	[tilespmem:$0x12480] =	vst v63  }
0xb1: {  	_ =	swait.ge [sflag:s6], $0x1800  }
0xb2: {  	[sflag:s6] =	ssyncset.done $0x0  }
0xb3: {  	s0 =	rddreg [dreg:$0x6];
	[sflag:s6] =	ssyncadd.s32 $0xFFFFE800  }
0xb4: {  	[hbm4b:s0+s2] =	stream.linear.scatter [tilespmem:s14], [sflag:$0x2], $0x1800, $0x38;
	[tilespmem:$0x12480] =	vst v63  }
0xb5: {  	_ =	swait.ge [sflag:s6], $0x1800  }
0xb6: {  	[sflag:s6] =	ssyncset.done $0x0  }
0xb7: {  	s0 =	rddreg [dreg:$0x7];
	[sflag:s6] =	ssyncadd.s32 $0xFFFFE800  }
0xb8: {  	[hbm4b:s0+s2] =	stream.linear.scatter [tilespmem:s13], [sflag:$0x2], $0x1800, $0x38;
	[tilespmem:$0x12480] =	vst v63  }
0xb9: {  	_ =	swait.ge [sflag:s6], $0x1800  }
0xba: {  	[sflag:s6] =	ssyncset.done $0x0  }
0xbb: {  	s0 =	rddreg [dreg:$0x8];
	[sflag:s6] =	ssyncadd.s32 $0xFFFFE800  }
0xbc: {  	[hbm4b:s0+s2] =	stream.linear.scatter [tilespmem:s12], [sflag:$0x2], $0x1800, $0x38;
	[tilespmem:$0x12480] =	vst v63  }
0xbd: {  	_ =	swait.ge [sflag:s6], $0x1800  }
0xbe: {  	[sflag:s6] =	ssyncset.done $0x0  }
0xbf: {  	s0 =	rddreg [dreg:$0x9];
	[sflag:s6] =	ssyncadd.s32 $0xFFFFE800  }
0xc0: {  	[hbm4b:s0+s2] =	stream.linear.scatter [tilespmem:s11], [sflag:$0x2], $0x1800, $0x38;
	[tilespmem:$0x12480] =	vst v63  }
0xc1: {  	_ =	swait.ge [sflag:s6], $0x1800  }
0xc2: {  	[sflag:s6] =	ssyncset.done $0x0  }
0xc3: {  	s0 =	rddreg [dreg:$0xa];
	[sflag:s6] =	ssyncadd.s32 $0xFFFFE800  }
0xc4: {  	[hbm4b:s0+s2] =	stream.linear.scatter [tilespmem:s10], [sflag:$0x2], $0x1800, $0x38;
	[tilespmem:$0x12480] =	vst v63  }
0xc5: {  	_ =	swait.ge [sflag:s6], $0x1800  }
0xc6: {  	[sflag:s6] =	ssyncset.done $0x0  }
0xc7: {  	s0 =	rddreg [dreg:$0xb];
	[sflag:s6] =	ssyncadd.s32 $0xFFFFE800  }
0xc8: {  	[hbm4b:s0+s2] =	stream.linear.scatter [tilespmem:s9], [sflag:$0x2], $0x1800, $0x38;
	[tilespmem:$0x12480] =	vst v63  }
0xc9: {  	_ =	swait.ge [sflag:s6], $0x1800  }
0xca: {  	[sflag:s6] =	ssyncset.done $0x0  }
0xcb: {  	s0 =	rddreg [dreg:$0xc];
	[sflag:s6] =	ssyncadd.s32 $0xFFFFE800  }
0xcc: {  	[hbm4b:s0+s2] =	stream.linear.scatter [tilespmem:s7], [sflag:$0x2], $0x1800, $0x38;
	[tilespmem:$0x12480] =	vst v63  }
0xcd: {  	_ =	swait.ge [sflag:s6], $0x1800  }
0xce: {  	[sflag:s6] =	ssyncset.done $0x0  }
0xcf: {  	s0 =	rddreg [dreg:$0xd];
	[sflag:s6] =	ssyncadd.s32 $0xFFFFE800  }
0xd0: {  	[hbm4b:s0+s2] =	stream.linear.scatter [tilespmem:s8], [sflag:$0x2], $0x1800, $0x38;
	[tilespmem:$0x12480] =	vst v63  }
0xd1: {  	_ =	swait.ge [sflag:s6], $0x1800  }
0xd2: {  	[sflag:s6] =	ssyncset.done $0x0  }
0xd3: {  	s0 =	rddreg [dreg:$0xe];
	[sflag:s6] =	ssyncadd.s32 $0xFFFFE800  }
0xd4: {  	[hbm4b:s0+s2] =	stream.linear.scatter [tilespmem:s5], [sflag:$0x2], $0x1800, $0x38;
	[tilespmem:$0x12480] =	vst v63  }
0xd5: {  	_ =	swait.ge [sflag:s3], $0x1800  }
0xd6: {  	[sflag:s3] =	ssyncset.done $0x0  }
0xd7: {  	[sflag:s3] =	ssyncadd.s32 $0xFFFFE800  }
0xd8: {  	_ =	swait.ge [sflag:s3], $0x1800  }
0xd9: {  	[sflag:s3] =	ssyncset.done $0x0  }
0xda: {  	[sflag:s3] =	ssyncadd.s32 $0xFFFFE800  }
0xdb: {  	_ =	swait.ge [sflag:s3], $0x1800  }
0xdc: {  	[sflag:s3] =	ssyncset.done $0x0  }
0xdd: {  	[sflag:s3] =	ssyncadd.s32 $0xFFFFE800  }
0xde: {  	_ =	swait.ge [sflag:s3], $0x1800  }
0xdf: {  	[sflag:s3] =	ssyncset.done $0x0  }
0xe0: {  	[sflag:s3] =	ssyncadd.s32 $0xFFFFE800  }
0xe1: {  	_ =	swait.ge [sflag:s3], $0x1800  }
0xe2: {  	[sflag:s3] =	ssyncset.done $0x0  }
0xe3: {  	[sflag:s3] =	ssyncadd.s32 $0xFFFFE800  }
0xe4: {  	_ =	swait.ge [sflag:s3], $0x1800  }
0xe5: {  	[sflag:s3] =	ssyncset.done $0x0  }
0xe6: {  	[sflag:s3] =	ssyncadd.s32 $0xFFFFE800  }
0xe7: {  	_ =	swait.ge [sflag:s3], $0x1800  }
0xe8: {  	[sflag:s3] =	ssyncset.done $0x0  }
0xe9: {  	[sflag:s3] =	ssyncadd.s32 $0xFFFFE800  }
0xea: {  	_ =	swait.ge [sflag:s3], $0x1800  }
0xeb: {  	[sflag:s3] =	ssyncset.done $0x0  }
0xec: {  	[sflag:s3] =	ssyncadd.s32 $0xFFFFE800  }
0xed: {  	_ =	swait.ge [sflag:s3], $0x1800  }
0xee: {  	[sflag:s3] =	ssyncset.done $0x0  }
0xef: {  	[sflag:s3] =	ssyncadd.s32 $0xFFFFE800  }
0xf0: {  	_ =	swait.ge [sflag:s3], $0x1800  }
0xf1: {  	[sflag:s3] =	ssyncset.done $0x0  }
0xf2: {  	p1 =	sne.s32 s1, $0x1;
	[sflag:s3] =	ssyncadd.s32 $0xFFFFE800  }
.Ltmp2:
0xf3: {  	_ =	swait.ge [sflag:s3], $0x1800;
	(pc) =	sbr.rel @p1 .LBB2_2-.Ltmp2, $4  }
0xf4: {  	[sflag:s3] =	ssyncset.done $0x0  }
0xf5: {  	[sflag:s3] =	ssyncadd.s32 $0xFFFFE800  }
0xf6: {  	_ =	swait.ge [sflag:s3], $0x1800  }
0xf7: {  	s1 =	sadd.s32 $0xFFFFFFFF, s1;
	s0 =	rddreg [dreg:$0x3];
	[sflag:s3] =	ssyncset.done $0x0  }
.LBB2_3:
0xf8: {  	[sflag:s3] =	ssyncadd.s32 @p0 $0xFFFFE800  }
0xf9: {  	[tilespmem:s2], [sflag:$0x3] =	stream.linear.gather [hbm4b:s0+s2], $0x480, $0x38;
	[tilespmem:$0x12480] =	vst v63  }
0xfa: {  	_ =	swait.ge [sflag:s20], $0x480  }
0xfb: {  	[sflag:s20] =	ssyncset.done $0x0  }
0xfc: {  	[sflag:s20] =	ssyncadd.s32 $0xFFFFFB80  }
0xfd: {  	[tilespmem:s18], [sflag:$0x1] =	stream.indirect.gather [hbm4b:s17+s19], $0x40, s2, s19, $0xb8;
	[tilespmem:$0x12480] =	vst v63  }
0xfe: {  	_ = 	snop  }
0xff: {  	[tilespmem:s16], [sflag:$0x1] =	stream.indirect.gather [hbm4b:s17+s19], $0x40, s19, s19, $0xb8;
	[tilespmem:$0x12480] =	vst v63  }
0x100: {  	_ = 	snop  }
0x101: {  	[tilespmem:s15], [sflag:$0x1] =	stream.indirect.gather [hbm4b:s17+s19], $0x40, s21, s19, $0xb8;
	[tilespmem:$0x12480] =	vst v63  }
0x102: {  	_ = 	snop  }
0x103: {  	[tilespmem:s14], [sflag:$0x1] =	stream.indirect.gather [hbm4b:s17+s19], $0x40, s22, s19, $0xb8;
	[tilespmem:$0x12480] =	vst v63  }
0x104: {  	_ = 	snop  }
0x105: {  	[tilespmem:s13], [sflag:$0x1] =	stream.indirect.gather [hbm4b:s17+s19], $0x40, s23, s19, $0xb8;
	[tilespmem:$0x12480] =	vst v63  }
0x106: {  	_ = 	snop  }
0x107: {  	[tilespmem:s12], [sflag:$0x1] =	stream.indirect.gather [hbm4b:s17+s19], $0x40, s24, s19, $0xb8;
	[tilespmem:$0x12480] =	vst v63  }
0x108: {  	_ = 	snop  }
0x109: {  	[tilespmem:s11], [sflag:$0x1] =	stream.indirect.gather [hbm4b:s17+s19], $0x40, s25, s19, $0xb8;
	[tilespmem:$0x12480] =	vst v63  }
0x10a: {  	_ = 	snop  }
0x10b: {  	[tilespmem:s10], [sflag:$0x1] =	stream.indirect.gather [hbm4b:s17+s19], $0x40, s26, s19, $0xb8;
	[tilespmem:$0x12480] =	vst v63  }
0x10c: {  	_ = 	snop  }
0x10d: {  	[tilespmem:s9], [sflag:$0x1] =	stream.indirect.gather [hbm4b:s17+s19], $0x40, s28, s19, $0xb8;
	[tilespmem:$0x12480] =	vst v63  }
0x10e: {  	_ = 	snop  }
0x10f: {  	[tilespmem:s7], [sflag:$0x1] =	stream.indirect.gather [hbm4b:s17+s19], $0x40, s29, s19, $0xb8;
	[tilespmem:$0x12480] =	vst v63  }
0x110: {  	_ = 	snop  }
0x111: {  	[tilespmem:s8], [sflag:$0x1] =	stream.indirect.gather [hbm4b:s17+s19], $0x40, s30, s19, $0xb8;
	[tilespmem:$0x12480] =	vst v63  }
0x112: {  	_ = 	snop  }
0x113: {  	[tilespmem:s5], [sflag:$0x1] =	stream.indirect.gather [hbm4b:s17+s19], $0x40, s31, s19, $0xb8;
	[tilespmem:$0x12480] =	vst v63  }
0x114: {  	_ =	swait.ge [sflag:s6], $0x1800  }
0x115: {  	[sflag:s6] =	ssyncset.done $0x0  }
0x116: {  	[sflag:s6] =	ssyncadd.s32 $0xFFFFE800  }
0x117: {  	[hbm4b:s4+s2] =	stream.linear.scatter [tilespmem:s18], [sflag:$0x2], $0x1800, $0x38;
	[tilespmem:$0x12480] =	vst v63  }
0x118: {  	_ =	swait.ge [sflag:s6], $0x1800  }
0x119: {  	[sflag:s6] =	ssyncset.done $0x0  }
0x11a: {  	s19 =	rddreg [dreg:$0x4];
	[sflag:s6] =	ssyncadd.s32 $0xFFFFE800  }
0x11b: {  	[hbm4b:s19+s2] =	stream.linear.scatter [tilespmem:s16], [sflag:$0x2], $0x1800, $0x38;
	[tilespmem:$0x12480] =	vst v63  }
0x11c: {  	_ =	swait.ge [sflag:s6], $0x1800  }
0x11d: {  	[sflag:s6] =	ssyncset.done $0x0  }
0x11e: {  	s20 =	rddreg [dreg:$0x5];
	[sflag:s6] =	ssyncadd.s32 $0xFFFFE800  }
0x11f: {  	[hbm4b:s20+s2] =	stream.linear.scatter [tilespmem:s15], [sflag:$0x2], $0x1800, $0x38;
	[tilespmem:$0x12480] =	vst v63  }
0x120: {  	_ =	swait.ge [sflag:s6], $0x1800  }
0x121: {  	[sflag:s6] =	ssyncset.done $0x0  }
0x122: {  	s21 =	rddreg [dreg:$0x6];
	[sflag:s6] =	ssyncadd.s32 $0xFFFFE800  }
0x123: {  	[hbm4b:s21+s2] =	stream.linear.scatter [tilespmem:s14], [sflag:$0x2], $0x1800, $0x38;
	[tilespmem:$0x12480] =	vst v63  }
0x124: {  	_ =	swait.ge [sflag:s6], $0x1800  }
0x125: {  	[sflag:s6] =	ssyncset.done $0x0  }
0x126: {  	s22 =	rddreg [dreg:$0x7];
	[sflag:s6] =	ssyncadd.s32 $0xFFFFE800  }
0x127: {  	[hbm4b:s22+s2] =	stream.linear.scatter [tilespmem:s13], [sflag:$0x2], $0x1800, $0x38;
	[tilespmem:$0x12480] =	vst v63  }
0x128: {  	_ =	swait.ge [sflag:s6], $0x1800  }
0x129: {  	[sflag:s6] =	ssyncset.done $0x0  }
0x12a: {  	s23 =	rddreg [dreg:$0x8];
	[sflag:s6] =	ssyncadd.s32 $0xFFFFE800  }
0x12b: {  	[hbm4b:s23+s2] =	stream.linear.scatter [tilespmem:s12], [sflag:$0x2], $0x1800, $0x38;
	[tilespmem:$0x12480] =	vst v63  }
0x12c: {  	_ =	swait.ge [sflag:s6], $0x1800  }
0x12d: {  	[sflag:s6] =	ssyncset.done $0x0  }
0x12e: {  	s24 =	rddreg [dreg:$0x9];
	[sflag:s6] =	ssyncadd.s32 $0xFFFFE800  }
0x12f: {  	[hbm4b:s24+s2] =	stream.linear.scatter [tilespmem:s11], [sflag:$0x2], $0x1800, $0x38;
	[tilespmem:$0x12480] =	vst v63  }
0x130: {  	_ =	swait.ge [sflag:s6], $0x1800  }
0x131: {  	[sflag:s6] =	ssyncset.done $0x0  }
0x132: {  	s25 =	rddreg [dreg:$0xa];
	[sflag:s6] =	ssyncadd.s32 $0xFFFFE800  }
0x133: {  	[hbm4b:s25+s2] =	stream.linear.scatter [tilespmem:s10], [sflag:$0x2], $0x1800, $0x38;
	[tilespmem:$0x12480] =	vst v63  }
0x134: {  	_ =	swait.ge [sflag:s6], $0x1800  }
0x135: {  	[sflag:s6] =	ssyncset.done $0x0  }
0x136: {  	s26 =	rddreg [dreg:$0xb];
	[sflag:s6] =	ssyncadd.s32 $0xFFFFE800  }
0x137: {  	[hbm4b:s26+s2] =	stream.linear.scatter [tilespmem:s9], [sflag:$0x2], $0x1800, $0x38;
	[tilespmem:$0x12480] =	vst v63  }
0x138: {  	_ =	swait.ge [sflag:s6], $0x1800  }
0x139: {  	[sflag:s6] =	ssyncset.done $0x0  }
0x13a: {  	s28 =	rddreg [dreg:$0xc];
	[sflag:s6] =	ssyncadd.s32 $0xFFFFE800  }
0x13b: {  	[hbm4b:s28+s2] =	stream.linear.scatter [tilespmem:s7], [sflag:$0x2], $0x1800, $0x38;
	[tilespmem:$0x12480] =	vst v63  }
0x13c: {  	_ =	swait.ge [sflag:s6], $0x1800  }
0x13d: {  	[sflag:s6] =	ssyncset.done $0x0  }
0x13e: {  	s29 =	rddreg [dreg:$0xd];
	[sflag:s6] =	ssyncadd.s32 $0xFFFFE800  }
0x13f: {  	[hbm4b:s29+s2] =	stream.linear.scatter [tilespmem:s8], [sflag:$0x2], $0x1800, $0x38;
	[tilespmem:$0x12480] =	vst v63  }
0x140: {  	_ =	swait.ge [sflag:s6], $0x1800  }
0x141: {  	[sflag:s6] =	ssyncset.done $0x0  }
0x142: {  	s30 =	rddreg [dreg:$0xe];
	[sflag:s6] =	ssyncadd.s32 $0xFFFFE800  }
0x143: {  	[hbm4b:s30+s2] =	stream.linear.scatter [tilespmem:s5], [sflag:$0x2], $0x1800, $0x38;
	[tilespmem:$0x12480] =	vst v63  }
0x144: {  	_ =	swait.ge [sflag:s3], $0x1800  }
0x145: {  	[sflag:s3] =	ssyncset.done $0x0  }
0x146: {  	[sflag:s3] =	ssyncadd.s32 $0xFFFFE800  }
0x147: {  	_ =	swait.ge [sflag:s3], $0x1800  }
0x148: {  	[sflag:s3] =	ssyncset.done $0x0  }
0x149: {  	[sflag:s3] =	ssyncadd.s32 $0xFFFFE800  }
0x14a: {  	_ =	swait.ge [sflag:s3], $0x1800  }
0x14b: {  	[sflag:s3] =	ssyncset.done $0x0  }
0x14c: {  	[sflag:s3] =	ssyncadd.s32 $0xFFFFE800  }
0x14d: {  	_ =	swait.ge [sflag:s3], $0x1800  }
0x14e: {  	[sflag:s3] =	ssyncset.done $0x0  }
0x14f: {  	[sflag:s3] =	ssyncadd.s32 $0xFFFFE800  }
0x150: {  	_ =	swait.ge [sflag:s3], $0x1800  }
0x151: {  	[sflag:s3] =	ssyncset.done $0x0  }
0x152: {  	[sflag:s3] =	ssyncadd.s32 $0xFFFFE800  }
0x153: {  	_ =	swait.ge [sflag:s3], $0x1800  }
0x154: {  	[sflag:s3] =	ssyncset.done $0x0  }
0x155: {  	[sflag:s3] =	ssyncadd.s32 $0xFFFFE800  }
0x156: {  	_ =	swait.ge [sflag:s3], $0x1800  }
0x157: {  	[sflag:s3] =	ssyncset.done $0x0  }
0x158: {  	[sflag:s3] =	ssyncadd.s32 $0xFFFFE800  }
0x159: {  	_ =	swait.ge [sflag:s3], $0x1800  }
0x15a: {  	[sflag:s3] =	ssyncset.done $0x0  }
0x15b: {  	[sflag:s3] =	ssyncadd.s32 $0xFFFFE800  }
0x15c: {  	_ =	swait.ge [sflag:s3], $0x1800  }
0x15d: {  	[sflag:s3] =	ssyncset.done $0x0  }
0x15e: {  	[sflag:s3] =	ssyncadd.s32 $0xFFFFE800  }
0x15f: {  	_ =	swait.ge [sflag:s3], $0x1800  }
0x160: {  	[sflag:s3] =	ssyncset.done $0x0  }
0x161: {  	[sflag:s3] =	ssyncadd.s32 $0xFFFFE800  }
0x162: {  	_ =	swait.ge [sflag:s3], $0x1800  }
0x163: {  	[sflag:s3] =	ssyncset.done $0x0  }
0x164: {  	[sflag:s3] =	ssyncadd.s32 $0xFFFFE800  }
0x165: {  	_ =	swait.ge [sflag:s3], $0x1800  }
0x166: {  	[sflag:s3] =	ssyncset.done $0x0  }
0x167: {  	[sflag:s3] =	ssyncadd.s32 $0xFFFFE800  }
0x168: {  	_ =	sfence.sel $0x180000  }
0x169: {  	[bflag:$0x0] =	sbarrier.arrive $0xFFFF  }
0x16a: {  	_ =	strace $0x90000047  }
0x16b: {  	s31 =	stileid.u32;
	[bflag:$0x2] =	sbarrier.arrive $0xFFFF  }
0x16c: {  	p0 =	sne.s32 s31, $0x0;
	s0 =	rddreg [dreg:$0x2]  }
0x16d: {  	s0 =	sadd.s32 @!p0 $0x100000, s0  }
0x16e: {  	[sflag:s0] =	ssyncadd.tile.s32 @!p0 $0x1;
	_ =	shalt  }
.Lfunc_end2:
_tile_overlayer_lowered:
.L_overlay_start_2:
0x16f: {  	(tag) =	ssettag $0x2  }
0x170: {  	s0 =	rddreg [dreg:$0x0];
	s2 =	stileid.u32  }
0x171: {  	s1 =	rddreg [dreg:$0x1];
	p0 =	sne.s32 s2, $0x0  }
0x172: {  	s3 =	rddreg [dreg:$0x2];
	[bflag:$0x3] =	sbarrier.arrive $0xFFFF;
	s2 =	simm.s32 @!p0 $0x1C03  }
0x173: {  	[timem:s3], [sflag:s2] =	dma.local @!p0 [hbm:s0], s1  }
0x174: {  	s0 =	simm.s32 @!p0 $0x3  }
0x175: {  	_ =	swait.ge @!p0 [sflag:s0], s1  }
0x176: {  	s1 =	ssub.s32 @!p0 $0x0, s1;
	[sflag:s0] =	ssyncset.done @!p0 $0x0  }
0x177: {  	[sflag:s0] =	ssyncadd.s32 @!p0 s1  }
0x178: {  	[bflag:$0x3] =	sbarrier.arrive $0xFFFF  }
0x179: {  	_ =	shalt  }

</sc_bundles>
